<compile_context>
chip_gen: v7x
topology: tpu7x:2x2x1
jax: 0.10.2.dev20260603
libtpu: 0.0.44.dev20260713+nightly
codegen_flags: <defaults>
</compile_context>

<pallas_src>
import functools

import jax
import jax.numpy as jnp
from jax import lax
from jax.experimental import pallas as pl
from jax.experimental.pallas import tpu as pltpu
from jax.experimental.pallas import tpu_sc as plsc

N = 10000
E = 320000
D = 128
DV = 32
NR = 12
CUT = 6.0
NTYPES = 100

NC = 2
NS = 16
NW = NC * NS
EW = E // NW
GCH = 400
GNC = EW // GCH
ECORE = E // NS
SCH = 80
SNC = ECORE // SCH
NPAD = 10240
ROWS_T = NPAD // NS

_mesh = plsc.VectorSubcoreMesh(core_axis_name="c", subcore_axis_name="s")
_sc_params = pltpu.CompilerParams(needs_layout_passes=False)


@functools.partial(
    pl.kernel,
    mesh=_mesh,
    out_type=jax.ShapeDtypeStruct((E * 8,), jnp.float32),
    scratch_types=[
        pltpu.VMEM((N * 3,), jnp.float32),
        pltpu.VMEM((N,), jnp.int32),
        pltpu.VMEM((GCH,), jnp.int32),
        pltpu.VMEM((GCH,), jnp.int32),
        pltpu.VMEM((GCH * 8,), jnp.float32),
    ],
    compiler_params=_sc_params,
)
def _edge_geom(src_hbm, dst_hbm, pos_hbm, z_hbm, out_hbm,
               pos_v, z_v, src_b, dst_b, stage):
    wid = lax.axis_index("s") * NC + lax.axis_index("c")
    pltpu.sync_copy(pos_hbm, pos_v)
    pltpu.sync_copy(z_hbm, z_v)
    lanes16 = lax.iota(jnp.int32, 16)

    def chunk_body(g, _):
        base = wid * EW + g * GCH
        pltpu.sync_copy(src_hbm.at[pl.ds(base, GCH)], src_b)
        pltpu.sync_copy(dst_hbm.at[pl.ds(base, GCH)], dst_b)

        def vec_body(v, _):
            off = v * 16
            srcv = src_b[pl.ds(off, 16)]
            dstv = dst_b[pl.ds(off, 16)]
            src3 = srcv * 3
            dst3 = dstv * 3
            col = (off + lanes16) * 8
            for k in range(3):
                ps = plsc.load_gather(pos_v, [src3 + k])
                pd = plsc.load_gather(pos_v, [dst3 + k])
                plsc.store_scatter(stage, [col + k], pd - ps)
            zi = plsc.load_gather(z_v, [srcv])
            plsc.store_scatter(stage, [col + 3], zi.astype(jnp.float32))
            return 0

        lax.fori_loop(0, GCH // 16, vec_body, 0)
        pltpu.sync_copy(stage, out_hbm.at[pl.ds(base * 8, GCH * 8)])
        return 0

    lax.fori_loop(0, GNC, chunk_body, 0)


BE = 1280


def _edge_dense_body(vecd_ref, emb_ref, wrbf_ref, wv_ref, freqs_ref,
                     msg_ref, vmsg_ref):
    blk = vecd_ref[...]
    vec = blk[:, 0:3]
    d2 = jnp.sum(vec * vec, axis=1, keepdims=True) + 1e-9
    dist = jnp.sqrt(d2)
    ds_ = dist * (1.0 / CUT)
    inv = 1.0 / ds_
    ds2 = ds_ * ds_
    ds4 = ds2 * ds2
    ds5 = ds4 * ds_
    env = inv + ds5 * (-28.0 + ds_ * (48.0 + ds_ * (-21.0)))
    env = jnp.where(ds_ < 1.0, env, 0.0)
    rbf = env * jnp.sin(ds_ * freqs_ref[...])
    gate = jnp.dot(rbf, wrbf_ref[...], preferred_element_type=jnp.float32)
    gate = gate * jax.nn.sigmoid(gate)
    zcol = blk[:, 3:4].astype(jnp.int32)
    onehot = (zcol == lax.broadcasted_iota(jnp.int32, (BE, D), 1))
    xs = jnp.dot(onehot.astype(jnp.float32), emb_ref[...],
                 preferred_element_type=jnp.float32)
    msg = xs * gate
    msg_ref[...] = msg
    mv = jnp.dot(msg, wv_ref[...], preferred_element_type=jnp.float32)
    unit = vec / dist
    parts = [unit[:, k:k + 1] * mv for k in range(3)]
    parts.append(jnp.zeros((BE, D - 3 * DV), jnp.float32))
    vmsg_ref[...] = jnp.concatenate(parts, axis=1)


def _edge_dense(vecd, embP, W_rbf, W_v, freqs_row):
    return pl.pallas_call(
        _edge_dense_body,
        grid=(E // BE,),
        in_specs=[
            pl.BlockSpec((BE, 8), lambda i: (i, 0)),
            pl.BlockSpec((D, D), lambda i: (0, 0)),
            pl.BlockSpec((NR, D), lambda i: (0, 0)),
            pl.BlockSpec((D, DV), lambda i: (0, 0)),
            pl.BlockSpec((1, NR), lambda i: (0, 0)),
        ],
        out_specs=[
            pl.BlockSpec((BE, D), lambda i: (i, 0)),
            pl.BlockSpec((BE, D), lambda i: (i, 0)),
        ],
        out_shape=[
            jax.ShapeDtypeStruct((E, D), jnp.float32),
            jax.ShapeDtypeStruct((E, D), jnp.float32),
        ],
    )(vecd, embP, W_rbf, W_v, freqs_row)


@functools.partial(
    pl.kernel,
    mesh=_mesh,
    out_type=[
        jax.ShapeDtypeStruct((NPAD, D), jnp.float32),
        jax.ShapeDtypeStruct((NPAD, D), jnp.float32),
    ],
    scratch_types=[
        pltpu.VMEM_SHARED((NPAD, D), jnp.float32),
        pltpu.VMEM((SCH,), jnp.int32),
        pltpu.VMEM((SCH, D), jnp.float32),
    ],
    compiler_params=_sc_params,
)
def _scatter(dst_hbm, msg_hbm, vmsg_hbm, zrows_hbm, agg_hbm, vagg_hbm,
             acc_sh, idx_b, row_b):
    cid = lax.axis_index("c")
    sid = lax.axis_index("s")
    pltpu.sync_copy(zrows_hbm, acc_sh.at[pl.ds(sid * ROWS_T, ROWS_T)])
    plsc.subcore_barrier()

    def make_loop(src_hbm):
        def body(g, _):
            base = sid * ECORE + g * SCH
            pltpu.sync_copy(dst_hbm.at[pl.ds(base, SCH)], idx_b)
            pltpu.sync_copy(src_hbm.at[pl.ds(base, SCH)], row_b)
            pltpu.sync_copy(row_b, acc_sh.at[idx_b], add=True)
            return 0
        return body

    @pl.when(cid == 0)
    def _():
        lax.fori_loop(0, SNC, make_loop(msg_hbm), 0)

    @pl.when(cid == 1)
    def _():
        lax.fori_loop(0, SNC, make_loop(vmsg_hbm), 0)

    plsc.subcore_barrier()
    rows = pl.ds(sid * ROWS_T, ROWS_T)

    @pl.when(cid == 0)
    def _():
        pltpu.sync_copy(acc_sh.at[rows], agg_hbm.at[rows])

    @pl.when(cid == 1)
    def _():
        pltpu.sync_copy(acc_sh.at[rows], vagg_hbm.at[rows])


BN = 2000


def _node_update_body(zf_ref, agg_ref, vagg_ref, emb_ref, wupd_ref, wvs_ref,
                      out_ref):
    onehot = (zf_ref[...].astype(jnp.int32)
              == lax.broadcasted_iota(jnp.int32, (BN, D), 1))
    xs = jnp.dot(onehot.astype(jnp.float32), emb_ref[...],
                 preferred_element_type=jnp.float32)
    h = jnp.dot(agg_ref[...], wupd_ref[...], preferred_element_type=jnp.float32)
    x_new = xs + h * jax.nn.sigmoid(h)
    va = vagg_ref[...]
    v0 = va[:, 0:DV]
    v1 = va[:, DV:2 * DV]
    v2 = va[:, 2 * DV:3 * DV]
    vnorm = jnp.sqrt(v0 * v0 + v1 * v1 + v2 * v2 + 1e-9)
    out_ref[...] = x_new + jnp.dot(vnorm, wvs_ref[...],
                                   preferred_element_type=jnp.float32)


def _node_update(zf, agg, vagg, embP, W_upd, W_vs):
    return pl.pallas_call(
        _node_update_body,
        grid=(N // BN,),
        in_specs=[
            pl.BlockSpec((BN, 1), lambda i: (i, 0)),
            pl.BlockSpec((BN, D), lambda i: (i, 0)),
            pl.BlockSpec((BN, D), lambda i: (i, 0)),
            pl.BlockSpec((D, D), lambda i: (0, 0)),
            pl.BlockSpec((D, D), lambda i: (0, 0)),
            pl.BlockSpec((DV, D), lambda i: (0, 0)),
        ],
        out_specs=pl.BlockSpec((BN, D), lambda i: (i, 0)),
        out_shape=jax.ShapeDtypeStruct((N, D), jnp.float32),
    )(zf, agg, vagg, embP, W_upd, W_vs)


def kernel(z, pos, edge_index, embedding, freqs, W_rbf, W_v, W_upd, W_vs):
    z = z.astype(jnp.int32)
    edge_index = edge_index.astype(jnp.int32)
    src = edge_index[0]
    dst = edge_index[1]
    pos = pos.astype(jnp.float32)

    vecd = _edge_geom(src, dst, pos.reshape(-1), z).reshape(E, 8)

    embP = jnp.zeros((D, D), jnp.float32).at[:NTYPES, :].set(embedding)
    msg, vmsg = _edge_dense(vecd, embP, W_rbf, W_v, freqs.reshape(1, NR))

    zrows = jnp.zeros((ROWS_T, D), jnp.float32)
    agg, vagg = _scatter(dst, msg, vmsg, zrows)
    agg = agg[:N]
    vagg = vagg[:N]

    zf = z.astype(jnp.float32).reshape(N, 1)
    out = _node_update(zf, agg, vagg, embP, W_upd, W_vs)
    return out

# --- scband reference (transcript-rebuilt; emitter-appended) ---
"""Pipeline reference for scband-vector-molecule-graph-model-52862457479878 (READ-ONLY COPY).

The authoritative reference and input builder live on the scoring server;
editing this copy changes nothing except your own understanding.
"""

import jax, jax.numpy as jnp
import numpy as np

N = 10000
E = 320000
D = 128
DV = 32
NR = 12
CUT = 6.0
NTYPES = 100


def setup_inputs(seed: int = 0) -> dict:
    key = jax.random.key(seed)
    ks = jax.random.split(key, 10)
    z = jax.random.randint(ks[0], (N,), 0, NTYPES, dtype=jnp.int64 if jax.config.jax_enable_x64 else jnp.int32)
    pos = jax.random.normal(ks[1], (N, 3), dtype=jnp.float32)
    edge_index = jax.random.randint(ks[2], (2, E), 0, N, dtype=jnp.int64 if jax.config.jax_enable_x64 else jnp.int32)
    embedding = jax.random.normal(ks[3], (NTYPES, D), dtype=jnp.float32) * 0.1
    # Bessel frequencies initialized as n*pi (DimeNet BesselBasisLayer)
    freqs = jnp.arange(1, NR + 1, dtype=jnp.float32) * jnp.pi
    W_rbf = jax.random.normal(ks[4], (NR, D), dtype=jnp.float32) * (1.0 / np.sqrt(NR))
    W_v = jax.random.normal(ks[5], (D, DV), dtype=jnp.float32) * (1.0 / np.sqrt(D))
    W_upd = jax.random.normal(ks[6], (D, D), dtype=jnp.float32) * (1.0 / np.sqrt(D))
    W_vs = jax.random.normal(ks[7], (DV, D), dtype=jnp.float32) * (1.0 / np.sqrt(DV))
    return {"z": z, "pos": pos, "edge_index": edge_index, "embedding": embedding,
            "freqs": freqs, "W_rbf": W_rbf, "W_v": W_v, "W_upd": W_upd, "W_vs": W_vs}


def _envelope(d_scaled, p=6):
    a = -(p + 1) * (p + 2) / 2.0
    b = p * (p + 2)
    c = -p * (p + 1) / 2.0
    env = 1.0 / d_scaled + a * d_scaled ** (p - 1) + b * d_scaled ** p + c * d_scaled ** (p + 1)
    return jnp.where(d_scaled < 1.0, env, 0.0)


def reference(z, pos, edge_index, embedding, freqs, W_rbf, W_v, W_upd, W_vs):
    src = edge_index[0]
    dst = edge_index[1]
    # atom-type embedding (gather)
    x = jnp.take(embedding, z, axis=0)  # [N, D]
    # edge geometry
    vec = jnp.take(pos, dst, axis=0) - jnp.take(pos, src, axis=0)  # [E, 3]
    dist = jnp.sqrt(jnp.sum(vec * vec, axis=-1) + 1e-9)            # [E]
    d_scaled = dist / CUT
    env = _envelope(d_scaled)                                       # [E]
    # Bessel radial basis with smooth envelope
    rbf = env[:, None] * jnp.sin(freqs[None, :] * d_scaled[:, None])  # [E, NR]
    edge_gate = jax.nn.silu(rbf @ W_rbf)                              # [E, D]
    # scalar messages: gather source features, modulate by radial filter
    msg = jnp.take(x, src, axis=0) * edge_gate                        # [E, D]
    agg = jnp.zeros((N, D), dtype=msg.dtype).at[dst].add(msg)         # scatter-add [N, D]
    # vector messages: unit edge direction outer-product with projected message
    unit = vec / dist[:, None]                                        # [E, 3]
    msg_v = msg @ W_v                                                 # [E, DV]
    vmsg = unit[:, :, None] * msg_v[:, None, :]                       # [E, 3, DV]
    vagg = jnp.zeros((N, 3, DV), dtype=vmsg.dtype).at[dst].add(vmsg)  # [N, 3, DV]
    # node update combining scalar aggregation and invariant vector norms
    x_new = x + jax.nn.silu(agg @ W_upd)                              # [N, D]
    vnorm = jnp.sqrt(jnp.sum(vagg * vagg, axis=1) + 1e-9)             # [N, DV]
    out = x_new + vnorm @ W_vs                                        # [N, D]
    return out

if __name__ == "__main__":
    import jax
    _d = setup_inputs()
    print(jax.jit(kernel)(*tuple(_d.values())))

</pallas_src>

<mosaic_0001>
#map = affine_map<(d0, d1) -> (0)>
module attributes {stable_mosaic.version = 14 : i64} {
  func.func @_edge_geom(%arg0: i32, %arg1: i32, %arg2: memref<320000xi32, #tpu.memory_space<hbm>>, %arg3: memref<320000xi32, #tpu.memory_space<hbm>>, %arg4: memref<30000xf32, #tpu.memory_space<hbm>>, %arg5: memref<10000xi32, #tpu.memory_space<hbm>>, %arg6: memref<2560000xf32, #tpu.memory_space<hbm>>, %arg7: memref<30000xf32, #tpu.memory_space<vmem>>, %arg8: memref<10000xi32, #tpu.memory_space<vmem>>, %arg9: memref<400xi32, #tpu.memory_space<vmem>>, %arg10: memref<400xi32, #tpu.memory_space<vmem>>, %arg11: memref<3200xf32, #tpu.memory_space<vmem>>) attributes {dimension_semantics = [#tpu.dimension_semantics<core_parallel>, #tpu.dimension_semantics<subcore_parallel>], iteration_bounds = array<i64: 2, 16>, scalar_prefetch = 0 : i64, scratch_operands = 5 : i64, tpu.core_type = #tpu.core_type<sc_vector_subcore>, window_params = [{transform_indices = #map}, {transform_indices = #map}, {transform_indices = #map}, {transform_indices = #map}, {transform_indices = #map}]} {
    %mul3A = arith.constant 2 : i32
    %mul3A_0 = arith.muli %arg1, %mul3A : i32
    %add3A = arith.addi %mul3A_0, %arg0 : i32
    "tpu.region"() ({
      %run_scoped3A = tpu.sem_alloc : memref<!tpu.dma_semaphore, #tpu.memory_space<semaphore_mem>>
      tpu.enqueue_dma source(%arg4 : memref<30000xf32, #tpu.memory_space<hbm>>) target(%arg7 : memref<30000xf32, #tpu.memory_space<vmem>>) target_semaphore(%run_scoped3A : memref<!tpu.dma_semaphore, #tpu.memory_space<semaphore_mem>>)
      tpu.wait_dma2 semaphore(%run_scoped3A : memref<!tpu.dma_semaphore, #tpu.memory_space<semaphore_mem>>) src(%arg4 : memref<30000xf32, #tpu.memory_space<hbm>>) dst(%arg7 : memref<30000xf32, #tpu.memory_space<vmem>>)
      tpu.yield
    }) : () -> ()
    "tpu.region"() ({
      %run_scoped3A = tpu.sem_alloc : memref<!tpu.dma_semaphore, #tpu.memory_space<semaphore_mem>>
      tpu.enqueue_dma source(%arg5 : memref<10000xi32, #tpu.memory_space<hbm>>) target(%arg8 : memref<10000xi32, #tpu.memory_space<vmem>>) target_semaphore(%run_scoped3A : memref<!tpu.dma_semaphore, #tpu.memory_space<semaphore_mem>>)
      tpu.wait_dma2 semaphore(%run_scoped3A : memref<!tpu.dma_semaphore, #tpu.memory_space<semaphore_mem>>) src(%arg5 : memref<10000xi32, #tpu.memory_space<hbm>>) dst(%arg8 : memref<10000xi32, #tpu.memory_space<vmem>>)
      tpu.yield
    }) : () -> ()
    %iota3A = tpu.iota {dimensions = array<i32: 0>} : vector<16xi32>
    %scan3A = arith.constant 0 : i32
    %scan3A_1 = arith.constant 0 : i32
    %scan3A_2 = arith.constant 25 : i32
    %scan3A_3 = arith.addi %scan3A_1, %scan3A_2 : i32
    %scan3A_4 = arith.constant 1 : i32
    %scan3A_5 = scf.for %scan3A_7 = %scan3A_1 to %scan3A_3 step %scan3A_4 iter_args(%scan3A_8 = %scan3A) -> (i32)  : i32 {
      %mul3A_9 = arith.constant 10000 : i32
      %mul3A_10 = arith.muli %add3A, %mul3A_9 : i32
      %mul3A_11 = arith.constant 400 : i32
      %mul3A_12 = arith.muli %scan3A_7, %mul3A_11 : i32
      %add3A_13 = arith.addi %mul3A_10, %mul3A_12 : i32
      "tpu.region"() ({
        %run_scoped3A = tpu.sem_alloc : memref<!tpu.dma_semaphore, #tpu.memory_space<semaphore_mem>>
        %dma_start3A = tpu.memref_slice %arg2[%add3A_13] : memref<320000xi32, #tpu.memory_space<hbm>> -> memref<400xi32, #tpu.memory_space<hbm>>
        %dma_start3A_24 = tpu.memref_slice %arg2[%add3A_13] : memref<320000xi32, #tpu.memory_space<hbm>> -> memref<400xi32, #tpu.memory_space<hbm>>
        tpu.enqueue_dma source(%dma_start3A_24 : memref<400xi32, #tpu.memory_space<hbm>>) target(%arg9 : memref<400xi32, #tpu.memory_space<vmem>>) target_semaphore(%run_scoped3A : memref<!tpu.dma_semaphore, #tpu.memory_space<semaphore_mem>>)
        %dma_wait3A = tpu.memref_slice %arg2[%add3A_13] : memref<320000xi32, #tpu.memory_space<hbm>> -> memref<400xi32, #tpu.memory_space<hbm>>
        %dma_wait3A_25 = tpu.memref_slice %arg2[%add3A_13] : memref<320000xi32, #tpu.memory_space<hbm>> -> memref<400xi32, #tpu.memory_space<hbm>>
        tpu.wait_dma2 semaphore(%run_scoped3A : memref<!tpu.dma_semaphore, #tpu.memory_space<semaphore_mem>>) src(%dma_wait3A_25 : memref<400xi32, #tpu.memory_space<hbm>>) dst(%arg9 : memref<400xi32, #tpu.memory_space<vmem>>)
        tpu.yield
      }) : () -> ()
      "tpu.region"() ({
        %run_scoped3A = tpu.sem_alloc : memref<!tpu.dma_semaphore, #tpu.memory_space<semaphore_mem>>
        %dma_start3A = tpu.memref_slice %arg3[%add3A_13] : memref<320000xi32, #tpu.memory_space<hbm>> -> memref<400xi32, #tpu.memory_space<hbm>>
        %dma_start3A_24 = tpu.memref_slice %arg3[%add3A_13] : memref<320000xi32, #tpu.memory_space<hbm>> -> memref<400xi32, #tpu.memory_space<hbm>>
        tpu.enqueue_dma source(%dma_start3A_24 : memref<400xi32, #tpu.memory_space<hbm>>) target(%arg10 : memref<400xi32, #tpu.memory_space<vmem>>) target_semaphore(%run_scoped3A : memref<!tpu.dma_semaphore, #tpu.memory_space<semaphore_mem>>)
        %dma_wait3A = tpu.memref_slice %arg3[%add3A_13] : memref<320000xi32, #tpu.memory_space<hbm>> -> memref<400xi32, #tpu.memory_space<hbm>>
        %dma_wait3A_25 = tpu.memref_slice %arg3[%add3A_13] : memref<320000xi32, #tpu.memory_space<hbm>> -> memref<400xi32, #tpu.memory_space<hbm>>
        tpu.wait_dma2 semaphore(%run_scoped3A : memref<!tpu.dma_semaphore, #tpu.memory_space<semaphore_mem>>) src(%dma_wait3A_25 : memref<400xi32, #tpu.memory_space<hbm>>) dst(%arg10 : memref<400xi32, #tpu.memory_space<vmem>>)
        tpu.yield
      }) : () -> ()
      %scan3A_14 = arith.constant 0 : i32
      %scan3A_15 = arith.constant 0 : i32
      %scan3A_16 = arith.constant 25 : i32
      %scan3A_17 = arith.addi %scan3A_15, %scan3A_16 : i32
      %scan3A_18 = arith.constant 1 : i32
      %scan3A_19 = scf.for %scan3A_24 = %scan3A_15 to %scan3A_17 step %scan3A_18 iter_args(%scan3A_25 = %scan3A_14) -> (i32)  : i32 {
        %mul3A_26 = arith.constant 16 : i32
        %mul3A_27 = arith.muli %scan3A_24, %mul3A_26 : i32
        %get3A = arith.index_cast %mul3A_27 : i32 to index
        %get3A_28 = tpu.vector_load %arg9[%get3A] {strides = array<i32>} : memref<400xi32, #tpu.memory_space<vmem>>, vector<16xi32>,
        %get3A_29 = arith.index_cast %mul3A_27 : i32 to index
        %get3A_30 = tpu.vector_load %arg10[%get3A_29] {strides = array<i32>} : memref<400xi32, #tpu.memory_space<vmem>>, vector<16xi32>,
        %mul3A_31 = arith.constant 3 : i32
        %mul3A_32 = vector.broadcast %mul3A_31 : i32 to vector<16xi32>
        %mul3A_33 = arith.muli %get3A_28, %mul3A_32 : vector<16xi32>
        %mul3A_34 = arith.constant 3 : i32
        %mul3A_35 = vector.broadcast %mul3A_34 : i32 to vector<16xi32>
        %mul3A_36 = arith.muli %get3A_30, %mul3A_35 : vector<16xi32>
        %add3A_37 = vector.broadcast %mul3A_27 : i32 to vector<16xi32>
        %add3A_38 = arith.addi %add3A_37, %iota3A : vector<16xi32>
        %mul3A_39 = arith.constant 8 : i32
        %mul3A_40 = vector.broadcast %mul3A_39 : i32 to vector<16xi32>
        %mul3A_41 = arith.muli %add3A_38, %mul3A_40 : vector<16xi32>
        %add3A_42 = arith.constant 0 : i32
        %add3A_43 = vector.broadcast %add3A_42 : i32 to vector<16xi32>
        %add3A_44 = arith.addi %mul3A_33, %add3A_43 : vector<16xi32>
        %gather3A = tpu.vector_load_idx %arg7[%add3A_44] : memref<30000xf32, #tpu.memory_space<vmem>>[vector<16xi32>], vector<16xf32>,
        %add3A_45 = arith.constant 0 : i32
        %add3A_46 = vector.broadcast %add3A_45 : i32 to vector<16xi32>
        %add3A_47 = arith.addi %mul3A_36, %add3A_46 : vector<16xi32>
        %gather3A_48 = tpu.vector_load_idx %arg7[%add3A_47] : memref<30000xf32, #tpu.memory_space<vmem>>[vector<16xi32>], vector<16xf32>,
        %add3A_49 = arith.constant 0 : i32
        %add3A_50 = vector.broadcast %add3A_49 : i32 to vector<16xi32>
        %add3A_51 = arith.addi %mul3A_41, %add3A_50 : vector<16xi32>
        %sub3A = arith.subf %gather3A_48, %gather3A : vector<16xf32>
        tpu.vector_store_idx %arg11[%add3A_51], %sub3A : memref<3200xf32, #tpu.memory_space<vmem>>[vector<16xi32>], vector<16xf32>,
        %add3A_52 = arith.constant 1 : i32
        %add3A_53 = vector.broadcast %add3A_52 : i32 to vector<16xi32>
        %add3A_54 = arith.addi %mul3A_33, %add3A_53 : vector<16xi32>
        %gather3A_55 = tpu.vector_load_idx %arg7[%add3A_54] : memref<30000xf32, #tpu.memory_space<vmem>>[vector<16xi32>], vector<16xf32>,
        %add3A_56 = arith.constant 1 : i32
        %add3A_57 = vector.broadcast %add3A_56 : i32 to vector<16xi32>
        %add3A_58 = arith.addi %mul3A_36, %add3A_57 : vector<16xi32>
        %gather3A_59 = tpu.vector_load_idx %arg7[%add3A_58] : memref<30000xf32, #tpu.memory_space<vmem>>[vector<16xi32>], vector<16xf32>,
        %add3A_60 = arith.constant 1 : i32
        %add3A_61 = vector.broadcast %add3A_60 : i32 to vector<16xi32>
        %add3A_62 = arith.addi %mul3A_41, %add3A_61 : vector<16xi32>
        %sub3A_63 = arith.subf %gather3A_59, %gather3A_55 : vector<16xf32>
        tpu.vector_store_idx %arg11[%add3A_62], %sub3A_63 : memref<3200xf32, #tpu.memory_space<vmem>>[vector<16xi32>], vector<16xf32>,
        %add3A_64 = arith.constant 2 : i32
        %add3A_65 = vector.broadcast %add3A_64 : i32 to vector<16xi32>
        %add3A_66 = arith.addi %mul3A_33, %add3A_65 : vector<16xi32>
        %gather3A_67 = tpu.vector_load_idx %arg7[%add3A_66] : memref<30000xf32, #tpu.memory_space<vmem>>[vector<16xi32>], vector<16xf32>,
        %add3A_68 = arith.constant 2 : i32
        %add3A_69 = vector.broadcast %add3A_68 : i32 to vector<16xi32>
        %add3A_70 = arith.addi %mul3A_36, %add3A_69 : vector<16xi32>
        %gather3A_71 = tpu.vector_load_idx %arg7[%add3A_70] : memref<30000xf32, #tpu.memory_space<vmem>>[vector<16xi32>], vector<16xf32>,
        %add3A_72 = arith.constant 2 : i32
        %add3A_73 = vector.broadcast %add3A_72 : i32 to vector<16xi32>
        %add3A_74 = arith.addi %mul3A_41, %add3A_73 : vector<16xi32>
        %sub3A_75 = arith.subf %gather3A_71, %gather3A_67 : vector<16xf32>
        tpu.vector_store_idx %arg11[%add3A_74], %sub3A_75 : memref<3200xf32, #tpu.memory_space<vmem>>[vector<16xi32>], vector<16xf32>,
        %gather3A_76 = tpu.vector_load_idx %arg8[%get3A_28] : memref<10000xi32, #tpu.memory_space<vmem>>[vector<16xi32>], vector<16xi32>,
        %add3A_77 = arith.constant 3 : i32
        %add3A_78 = vector.broadcast %add3A_77 : i32 to vector<16xi32>
        %add3A_79 = arith.addi %mul3A_41, %add3A_78 : vector<16xi32>
        %convert_element_type3A = arith.sitofp %gather3A_76 : vector<16xi32> to vector<16xf32>
        tpu.vector_store_idx %arg11[%add3A_79], %convert_element_type3A : memref<3200xf32, #tpu.memory_space<vmem>>[vector<16xi32>], vector<16xf32>,
        %scan3A_80 = arith.constant 0 : i32
        scf.yield %scan3A_80 : i32
      }
      %scan3A_20 = arith.constant 25 : i32
      %mul3A_21 = arith.constant 8 : i32
      %mul3A_22 = arith.muli %add3A_13, %mul3A_21 : i32
      "tpu.region"() ({
        %run_scoped3A = tpu.sem_alloc : memref<!tpu.dma_semaphore, #tpu.memory_space<semaphore_mem>>
        %dma_start3A = tpu.memref_slice %arg6[%mul3A_22] : memref<2560000xf32, #tpu.memory_space<hbm>> -> memref<3200xf32, #tpu.memory_space<hbm>>
        %dma_start3A_24 = tpu.memref_slice %arg6[%mul3A_22] : memref<2560000xf32, #tpu.memory_space<hbm>> -> memref<3200xf32, #tpu.memory_space<hbm>>
        tpu.enqueue_dma source(%arg11 : memref<3200xf32, #tpu.memory_space<vmem>>) target(%dma_start3A_24 : memref<3200xf32, #tpu.memory_space<hbm>>) target_semaphore(%run_scoped3A : memref<!tpu.dma_semaphore, #tpu.memory_space<semaphore_mem>>)
        %dma_wait3A = tpu.memref_slice %arg6[%mul3A_22] : memref<2560000xf32, #tpu.memory_space<hbm>> -> memref<3200xf32, #tpu.memory_space<hbm>>
        %dma_wait3A_25 = tpu.memref_slice %arg6[%mul3A_22] : memref<2560000xf32, #tpu.memory_space<hbm>> -> memref<3200xf32, #tpu.memory_space<hbm>>
        tpu.wait_dma2 semaphore(%run_scoped3A : memref<!tpu.dma_semaphore, #tpu.memory_space<semaphore_mem>>) src(%arg11 : memref<3200xf32, #tpu.memory_space<vmem>>) dst(%dma_wait3A_25 : memref<3200xf32, #tpu.memory_space<hbm>>)
        tpu.yield
      }) : () -> ()
      %scan3A_23 = arith.constant 0 : i32
      scf.yield %scan3A_23 : i32
    }
    %scan3A_6 = arith.constant 25 : i32
    return
  }
}

#map = affine_map<(d0, d1) -> (0)>
#map1 = affine_map<(d0, d1) -> (0, 0)>
module attributes {stable_mosaic.version = 14 : i64} {
  func.func @_scatter(%arg0: i32, %arg1: i32, %arg2: memref<320000xi32, #tpu.memory_space<hbm>>, %arg3: memref<320000x128xf32, #tpu.memory_space<hbm>>, %arg4: memref<320000x128xf32, #tpu.memory_space<hbm>>, %arg5: memref<640x128xf32, #tpu.memory_space<hbm>>, %arg6: memref<10240x128xf32, #tpu.memory_space<hbm>>, %arg7: memref<10240x128xf32, #tpu.memory_space<hbm>>, %arg8: memref<10240x128xf32, #tpu.memory_space<vmem_shared>>, %arg9: memref<80xi32, #tpu.memory_space<vmem>>, %arg10: memref<80x128xf32, #tpu.memory_space<vmem>>) attributes {dimension_semantics = [#tpu.dimension_semantics<core_parallel>, #tpu.dimension_semantics<subcore_parallel>], iteration_bounds = array<i64: 2, 16>, scalar_prefetch = 0 : i64, scratch_operands = 3 : i64, tpu.core_type = #tpu.core_type<sc_vector_subcore>, window_params = [{transform_indices = #map}, {transform_indices = #map1}, {transform_indices = #map1}, {transform_indices = #map1}, {transform_indices = #map1}, {transform_indices = #map1}]} {
    %mul3A = arith.constant 640 : i32
    %mul3A_0 = arith.muli %arg1, %mul3A : i32
    "tpu.region"() ({
      %run_scoped3A = tpu.sem_alloc : memref<!tpu.dma_semaphore, #tpu.memory_space<semaphore_mem>>
      %dma_start3A = arith.constant 0 : i32
      %dma_start3A_21 = tpu.memref_slice %arg8[%mul3A_0, %dma_start3A] : memref<10240x128xf32, #tpu.memory_space<vmem_shared>> -> memref<640x128xf32, #tpu.memory_space<vmem_shared>>
      tpu.enqueue_dma source(%arg5 : memref<640x128xf32, #tpu.memory_space<hbm>>) target(%dma_start3A_21 : memref<640x128xf32, #tpu.memory_space<vmem_shared>>) target_semaphore(%run_scoped3A : memref<!tpu.dma_semaphore, #tpu.memory_space<semaphore_mem>>)
      %dma_wait3A = arith.constant 0 : i32
      %dma_wait3A_22 = tpu.memref_slice %arg8[%mul3A_0, %dma_wait3A] : memref<10240x128xf32, #tpu.memory_space<vmem_shared>> -> memref<640x128xf32, #tpu.memory_space<vmem_shared>>
      tpu.wait_dma2 semaphore(%run_scoped3A : memref<!tpu.dma_semaphore, #tpu.memory_space<semaphore_mem>>) src(%arg5 : memref<640x128xf32, #tpu.memory_space<hbm>>) dst(%dma_wait3A_22 : memref<640x128xf32, #tpu.memory_space<vmem_shared>>)
      tpu.yield
    }) : () -> ()
    %barrier3A = arith.constant 0 : index
    tpu.barrier barrier_id(%barrier3A)
    %eq3A = arith.constant 0 : i32
    %eq3A_1 = arith.cmpi eq, %arg0, %eq3A : i32
    %convert_element_type3A = arith.extui %eq3A_1 : i1 to i32
    %cond3A = arith.constant 0 : i32
    %cond3A_2 = arith.cmpi ne, %convert_element_type3A, %cond3A : i32
    scf.if %cond3A_2 {
      %scan3A = arith.constant 0 : i32
      %scan3A_21 = arith.constant 0 : i32
      %scan3A_22 = arith.constant 250 : i32
      %scan3A_23 = arith.addi %scan3A_21, %scan3A_22 : i32
      %scan3A_24 = arith.constant 1 : i32
      %scan3A_25 = scf.for %scan3A_27 = %scan3A_21 to %scan3A_23 step %scan3A_24 iter_args(%scan3A_28 = %scan3A) -> (i32)  : i32 {
        %mul3A_29 = arith.constant 20000 : i32
        %mul3A_30 = arith.muli %arg1, %mul3A_29 : i32
        %mul3A_31 = arith.constant 80 : i32
        %mul3A_32 = arith.muli %scan3A_27, %mul3A_31 : i32
        %add3A = arith.addi %mul3A_30, %mul3A_32 : i32
        "tpu.region"() ({
          %run_scoped3A = tpu.sem_alloc : memref<!tpu.dma_semaphore, #tpu.memory_space<semaphore_mem>>
          %dma_start3A = tpu.memref_slice %arg2[%add3A] : memref<320000xi32, #tpu.memory_space<hbm>> -> memref<80xi32, #tpu.memory_space<hbm>>
          %dma_start3A_34 = tpu.memref_slice %arg2[%add3A] : memref<320000xi32, #tpu.memory_space<hbm>> -> memref<80xi32, #tpu.memory_space<hbm>>
          tpu.enqueue_dma source(%dma_start3A_34 : memref<80xi32, #tpu.memory_space<hbm>>) target(%arg9 : memref<80xi32, #tpu.memory_space<vmem>>) target_semaphore(%run_scoped3A : memref<!tpu.dma_semaphore, #tpu.memory_space<semaphore_mem>>)
          %dma_wait3A = tpu.memref_slice %arg2[%add3A] : memref<320000xi32, #tpu.memory_space<hbm>> -> memref<80xi32, #tpu.memory_space<hbm>>
          %dma_wait3A_35 = tpu.memref_slice %arg2[%add3A] : memref<320000xi32, #tpu.memory_space<hbm>> -> memref<80xi32, #tpu.memory_space<hbm>>
          tpu.wait_dma2 semaphore(%run_scoped3A : memref<!tpu.dma_semaphore, #tpu.memory_space<semaphore_mem>>) src(%dma_wait3A_35 : memref<80xi32, #tpu.memory_space<hbm>>) dst(%arg9 : memref<80xi32, #tpu.memory_space<vmem>>)
          tpu.yield
        }) : () -> ()
        "tpu.region"() ({
          %run_scoped3A = tpu.sem_alloc : memref<!tpu.dma_semaphore, #tpu.memory_space<semaphore_mem>>
          %dma_start3A = arith.constant 0 : i32
          %dma_start3A_34 = tpu.memref_slice %arg3[%add3A, %dma_start3A] : memref<320000x128xf32, #tpu.memory_space<hbm>> -> memref<80x128xf32, #tpu.memory_space<hbm>>
          %dma_start3A_35 = arith.constant 0 : i32
          %dma_start3A_36 = tpu.memref_slice %arg3[%add3A, %dma_start3A_35] : memref<320000x128xf32, #tpu.memory_space<hbm>> -> memref<80x128xf32, #tpu.memory_space<hbm>>
          tpu.enqueue_dma source(%dma_start3A_36 : memref<80x128xf32, #tpu.memory_space<hbm>>) target(%arg10 : memref<80x128xf32, #tpu.memory_space<vmem>>) target_semaphore(%run_scoped3A : memref<!tpu.dma_semaphore, #tpu.memory_space<semaphore_mem>>)
          %dma_wait3A = arith.constant 0 : i32
          %dma_wait3A_37 = tpu.memref_slice %arg3[%add3A, %dma_wait3A] : memref<320000x128xf32, #tpu.memory_space<hbm>> -> memref<80x128xf32, #tpu.memory_space<hbm>>
          %dma_wait3A_38 = arith.constant 0 : i32
          %dma_wait3A_39 = tpu.memref_slice %arg3[%add3A, %dma_wait3A_38] : memref<320000x128xf32, #tpu.memory_space<hbm>> -> memref<80x128xf32, #tpu.memory_space<hbm>>
          tpu.wait_dma2 semaphore(%run_scoped3A : memref<!tpu.dma_semaphore, #tpu.memory_space<semaphore_mem>>) src(%dma_wait3A_39 : memref<80x128xf32, #tpu.memory_space<hbm>>) dst(%arg10 : memref<80x128xf32, #tpu.memory_space<vmem>>)
          tpu.yield
        }) : () -> ()
        "tpu.region"() ({
          %run_scoped3A = tpu.sem_alloc : memref<!tpu.dma_semaphore, #tpu.memory_space<semaphore_mem>>
          %dma_start3A = arith.constant 0 : i32
          %dma_start3A_34 = arith.constant 0 : i32
          %dma_start3A_35 = tpu.memref_slice %arg8[%dma_start3A, %dma_start3A_34] : memref<10240x128xf32, #tpu.memory_space<vmem_shared>> -> memref<10240x128xf32, #tpu.memory_space<vmem_shared>>
          tpu.enqueue_indirect_dma source(%arg10 : memref<80x128xf32, #tpu.memory_space<vmem>>) target(%dma_start3A_35 : memref<10240x128xf32, #tpu.memory_space<vmem_shared>>) offsets(%arg9 : memref<80xi32, #tpu.memory_space<vmem>>) semaphore(%run_scoped3A : memref<!tpu.dma_semaphore, #tpu.memory_space<semaphore_mem>>) {add = true}
          %dma_wait3A = arith.constant 0 : i32
          %dma_wait3A_36 = arith.constant 0 : i32
          %dma_wait3A_37 = tpu.memref_slice %arg8[%dma_wait3A, %dma_wait3A_36] : memref<10240x128xf32, #tpu.memory_space<vmem_shared>> -> memref<10240x128xf32, #tpu.memory_space<vmem_shared>>
          tpu.wait_indirect_dma semaphore(%run_scoped3A : memref<!tpu.dma_semaphore, #tpu.memory_space<semaphore_mem>>) src(%arg10 : memref<80x128xf32, #tpu.memory_space<vmem>>) dst(%dma_wait3A_37 : memref<10240x128xf32, #tpu.memory_space<vmem_shared>>)
          tpu.yield
        }) : () -> ()
        %scan3A_33 = arith.constant 0 : i32
        scf.yield %scan3A_33 : i32
      }
      %scan3A_26 = arith.constant 250 : i32
    } else {
    }
    %eq3A_3 = arith.constant 1 : i32
    %eq3A_4 = arith.cmpi eq, %arg0, %eq3A_3 : i32
    %convert_element_type3A_5 = arith.extui %eq3A_4 : i1 to i32
    %cond3A_6 = arith.constant 0 : i32
    %cond3A_7 = arith.cmpi ne, %convert_element_type3A_5, %cond3A_6 : i32
    scf.if %cond3A_7 {
      %scan3A = arith.constant 0 : i32
      %scan3A_21 = arith.constant 0 : i32
      %scan3A_22 = arith.constant 250 : i32
      %scan3A_23 = arith.addi %scan3A_21, %scan3A_22 : i32
      %scan3A_24 = arith.constant 1 : i32
      %scan3A_25 = scf.for %scan3A_27 = %scan3A_21 to %scan3A_23 step %scan3A_24 iter_args(%scan3A_28 = %scan3A) -> (i32)  : i32 {
        %mul3A_29 = arith.constant 20000 : i32
        %mul3A_30 = arith.muli %arg1, %mul3A_29 : i32
        %mul3A_31 = arith.constant 80 : i32
        %mul3A_32 = arith.muli %scan3A_27, %mul3A_31 : i32
        %add3A = arith.addi %mul3A_30, %mul3A_32 : i32
        "tpu.region"() ({
          %run_scoped3A = tpu.sem_alloc : memref<!tpu.dma_semaphore, #tpu.memory_space<semaphore_mem>>
          %dma_start3A = tpu.memref_slice %arg2[%add3A] : memref<320000xi32, #tpu.memory_space<hbm>> -> memref<80xi32, #tpu.memory_space<hbm>>
          %dma_start3A_34 = tpu.memref_slice %arg2[%add3A] : memref<320000xi32, #tpu.memory_space<hbm>> -> memref<80xi32, #tpu.memory_space<hbm>>
          tpu.enqueue_dma source(%dma_start3A_34 : memref<80xi32, #tpu.memory_space<hbm>>) target(%arg9 : memref<80xi32, #tpu.memory_space<vmem>>) target_semaphore(%run_scoped3A : memref<!tpu.dma_semaphore, #tpu.memory_space<semaphore_mem>>)
          %dma_wait3A = tpu.memref_slice %arg2[%add3A] : memref<320000xi32, #tpu.memory_space<hbm>> -> memref<80xi32, #tpu.memory_space<hbm>>
          %dma_wait3A_35 = tpu.memref_slice %arg2[%add3A] : memref<320000xi32, #tpu.memory_space<hbm>> -> memref<80xi32, #tpu.memory_space<hbm>>
          tpu.wait_dma2 semaphore(%run_scoped3A : memref<!tpu.dma_semaphore, #tpu.memory_space<semaphore_mem>>) src(%dma_wait3A_35 : memref<80xi32, #tpu.memory_space<hbm>>) dst(%arg9 : memref<80xi32, #tpu.memory_space<vmem>>)
          tpu.yield
        }) : () -> ()
        "tpu.region"() ({
          %run_scoped3A = tpu.sem_alloc : memref<!tpu.dma_semaphore, #tpu.memory_space<semaphore_mem>>
          %dma_start3A = arith.constant 0 : i32
          %dma_start3A_34 = tpu.memref_slice %arg4[%add3A, %dma_start3A] : memref<320000x128xf32, #tpu.memory_space<hbm>> -> memref<80x128xf32, #tpu.memory_space<hbm>>
          %dma_start3A_35 = arith.constant 0 : i32
          %dma_start3A_36 = tpu.memref_slice %arg4[%add3A, %dma_start3A_35] : memref<320000x128xf32, #tpu.memory_space<hbm>> -> memref<80x128xf32, #tpu.memory_space<hbm>>
          tpu.enqueue_dma source(%dma_start3A_36 : memref<80x128xf32, #tpu.memory_space<hbm>>) target(%arg10 : memref<80x128xf32, #tpu.memory_space<vmem>>) target_semaphore(%run_scoped3A : memref<!tpu.dma_semaphore, #tpu.memory_space<semaphore_mem>>)
          %dma_wait3A = arith.constant 0 : i32
          %dma_wait3A_37 = tpu.memref_slice %arg4[%add3A, %dma_wait3A] : memref<320000x128xf32, #tpu.memory_space<hbm>> -> memref<80x128xf32, #tpu.memory_space<hbm>>
          %dma_wait3A_38 = arith.constant 0 : i32
          %dma_wait3A_39 = tpu.memref_slice %arg4[%add3A, %dma_wait3A_38] : memref<320000x128xf32, #tpu.memory_space<hbm>> -> memref<80x128xf32, #tpu.memory_space<hbm>>
          tpu.wait_dma2 semaphore(%run_scoped3A : memref<!tpu.dma_semaphore, #tpu.memory_space<semaphore_mem>>) src(%dma_wait3A_39 : memref<80x128xf32, #tpu.memory_space<hbm>>) dst(%arg10 : memref<80x128xf32, #tpu.memory_space<vmem>>)
          tpu.yield
        }) : () -> ()
        "tpu.region"() ({
          %run_scoped3A = tpu.sem_alloc : memref<!tpu.dma_semaphore, #tpu.memory_space<semaphore_mem>>
          %dma_start3A = arith.constant 0 : i32
          %dma_start3A_34 = arith.constant 0 : i32
          %dma_start3A_35 = tpu.memref_slice %arg8[%dma_start3A, %dma_start3A_34] : memref<10240x128xf32, #tpu.memory_space<vmem_shared>> -> memref<10240x128xf32, #tpu.memory_space<vmem_shared>>
          tpu.enqueue_indirect_dma source(%arg10 : memref<80x128xf32, #tpu.memory_space<vmem>>) target(%dma_start3A_35 : memref<10240x128xf32, #tpu.memory_space<vmem_shared>>) offsets(%arg9 : memref<80xi32, #tpu.memory_space<vmem>>) semaphore(%run_scoped3A : memref<!tpu.dma_semaphore, #tpu.memory_space<semaphore_mem>>) {add = true}
          %dma_wait3A = arith.constant 0 : i32
          %dma_wait3A_36 = arith.constant 0 : i32
          %dma_wait3A_37 = tpu.memref_slice %arg8[%dma_wait3A, %dma_wait3A_36] : memref<10240x128xf32, #tpu.memory_space<vmem_shared>> -> memref<10240x128xf32, #tpu.memory_space<vmem_shared>>
          tpu.wait_indirect_dma semaphore(%run_scoped3A : memref<!tpu.dma_semaphore, #tpu.memory_space<semaphore_mem>>) src(%arg10 : memref<80x128xf32, #tpu.memory_space<vmem>>) dst(%dma_wait3A_37 : memref<10240x128xf32, #tpu.memory_space<vmem_shared>>)
          tpu.yield
        }) : () -> ()
        %scan3A_33 = arith.constant 0 : i32
        scf.yield %scan3A_33 : i32
      }
      %scan3A_26 = arith.constant 250 : i32
    } else {
    }
    %barrier3A_8 = arith.constant 0 : index
    tpu.barrier barrier_id(%barrier3A_8)
    %mul3A_9 = arith.constant 640 : i32
    %mul3A_10 = arith.muli %arg1, %mul3A_9 : i32
    %eq3A_11 = arith.constant 0 : i32
    %eq3A_12 = arith.cmpi eq, %arg0, %eq3A_11 : i32
    %convert_element_type3A_13 = arith.extui %eq3A_12 : i1 to i32
    %cond3A_14 = arith.constant 0 : i32
    %cond3A_15 = arith.cmpi ne, %convert_element_type3A_13, %cond3A_14 : i32
    scf.if %cond3A_15 {
      "tpu.region"() ({
        %run_scoped3A = tpu.sem_alloc : memref<!tpu.dma_semaphore, #tpu.memory_space<semaphore_mem>>
        %dma_start3A = arith.constant 0 : i32
        %dma_start3A_21 = tpu.memref_slice %arg6[%mul3A_10, %dma_start3A] : memref<10240x128xf32, #tpu.memory_space<hbm>> -> memref<640x128xf32, #tpu.memory_space<hbm>>
        %dma_start3A_22 = arith.constant 0 : i32
        %dma_start3A_23 = tpu.memref_slice %arg8[%mul3A_10, %dma_start3A_22] : memref<10240x128xf32, #tpu.memory_space<vmem_shared>> -> memref<640x128xf32, #tpu.memory_space<vmem_shared>>
        tpu.enqueue_dma source(%dma_start3A_23 : memref<640x128xf32, #tpu.memory_space<vmem_shared>>) target(%dma_start3A_21 : memref<640x128xf32, #tpu.memory_space<hbm>>) target_semaphore(%run_scoped3A : memref<!tpu.dma_semaphore, #tpu.memory_space<semaphore_mem>>)
        %dma_wait3A = arith.constant 0 : i32
        %dma_wait3A_24 = tpu.memref_slice %arg6[%mul3A_10, %dma_wait3A] : memref<10240x128xf32, #tpu.memory_space<hbm>> -> memref<640x128xf32, #tpu.memory_space<hbm>>
        %dma_wait3A_25 = arith.constant 0 : i32
        %dma_wait3A_26 = tpu.memref_slice %arg8[%mul3A_10, %dma_wait3A_25] : memref<10240x128xf32, #tpu.memory_space<vmem_shared>> -> memref<640x128xf32, #tpu.memory_space<vmem_shared>>
        tpu.wait_dma2 semaphore(%run_scoped3A : memref<!tpu.dma_semaphore, #tpu.memory_space<semaphore_mem>>) src(%dma_wait3A_26 : memref<640x128xf32, #tpu.memory_space<vmem_shared>>) dst(%dma_wait3A_24 : memref<640x128xf32, #tpu.memory_space<hbm>>)
        tpu.yield
      }) : () -> ()
    } else {
    }
    %eq3A_16 = arith.constant 1 : i32
    %eq3A_17 = arith.cmpi eq, %arg0, %eq3A_16 : i32
    %convert_element_type3A_18 = arith.extui %eq3A_17 : i1 to i32
    %cond3A_19 = arith.constant 0 : i32
    %cond3A_20 = arith.cmpi ne, %convert_element_type3A_18, %cond3A_19 : i32
    scf.if %cond3A_20 {
      "tpu.region"() ({
        %run_scoped3A = tpu.sem_alloc : memref<!tpu.dma_semaphore, #tpu.memory_space<semaphore_mem>>
        %dma_start3A = arith.constant 0 : i32
        %dma_start3A_21 = tpu.memref_slice %arg7[%mul3A_10, %dma_start3A] : memref<10240x128xf32, #tpu.memory_space<hbm>> -> memref<640x128xf32, #tpu.memory_space<hbm>>
        %dma_start3A_22 = arith.constant 0 : i32
        %dma_start3A_23 = tpu.memref_slice %arg8[%mul3A_10, %dma_start3A_22] : memref<10240x128xf32, #tpu.memory_space<vmem_shared>> -> memref<640x128xf32, #tpu.memory_space<vmem_shared>>
        tpu.enqueue_dma source(%dma_start3A_23 : memref<640x128xf32, #tpu.memory_space<vmem_shared>>) target(%dma_start3A_21 : memref<640x128xf32, #tpu.memory_space<hbm>>) target_semaphore(%run_scoped3A : memref<!tpu.dma_semaphore, #tpu.memory_space<semaphore_mem>>)
        %dma_wait3A = arith.constant 0 : i32
        %dma_wait3A_24 = tpu.memref_slice %arg7[%mul3A_10, %dma_wait3A] : memref<10240x128xf32, #tpu.memory_space<hbm>> -> memref<640x128xf32, #tpu.memory_space<hbm>>
        %dma_wait3A_25 = arith.constant 0 : i32
        %dma_wait3A_26 = tpu.memref_slice %arg8[%mul3A_10, %dma_wait3A_25] : memref<10240x128xf32, #tpu.memory_space<vmem_shared>> -> memref<640x128xf32, #tpu.memory_space<vmem_shared>>
        tpu.wait_dma2 semaphore(%run_scoped3A : memref<!tpu.dma_semaphore, #tpu.memory_space<semaphore_mem>>) src(%dma_wait3A_26 : memref<640x128xf32, #tpu.memory_space<vmem_shared>>) dst(%dma_wait3A_24 : memref<640x128xf32, #tpu.memory_space<hbm>>)
        tpu.yield
      }) : () -> ()
    } else {
    }
    return
  }
}

module attributes {stable_mosaic.version = 14 : i64} {
  func.func @_edge_dense_body(%arg0: i32, %arg1: memref<1280x8xf32, #tpu.memory_space<vmem>>, %arg2: memref<128x128xf32, #tpu.memory_space<vmem>>, %arg3: memref<12x128xf32, #tpu.memory_space<vmem>>, %arg4: memref<128x32xf32, #tpu.memory_space<vmem>>, %arg5: memref<1x12xf32, #tpu.memory_space<vmem>>, %arg6: memref<1280x128xf32, #tpu.memory_space<vmem>>, %arg7: memref<1280x128xf32, #tpu.memory_space<vmem>>) attributes {dimension_semantics = [#tpu.dimension_semantics<arbitrary>], iteration_bounds = array<i64: 250>, scalar_prefetch = 0 : i64, scratch_operands = 0 : i64, tpu.core_type = #tpu.core_type<tc>, window_params = [{transform_indices = @transform_0, window_bounds = array<i64: 1280, 8>}, {pipeline_mode = #tpu.pipeline_mode<synchronous>, transform_indices = @transform_1, window_bounds = array<i64: 128, 128>}, {pipeline_mode = #tpu.pipeline_mode<synchronous>, transform_indices = @transform_2, window_bounds = array<i64: 12, 128>}, {pipeline_mode = #tpu.pipeline_mode<synchronous>, transform_indices = @transform_3, window_bounds = array<i64: 128, 32>}, {pipeline_mode = #tpu.pipeline_mode<synchronous>, transform_indices = @transform_4, window_bounds = array<i64: 1, 12>}, {transform_indices = @transform_5, window_bounds = array<i64: 1280, 128>}, {transform_indices = @transform_6, window_bounds = array<i64: 1280, 128>}]} {
    %get3A = arith.constant 0 : index
    %get3A_0 = arith.constant 0 : index
    %get3A_1 = vector.load %arg1[%get3A, %get3A_0] : memref<1280x8xf32, #tpu.memory_space<vmem>>, vector<1280x8xf32>
    %slice3A = vector.extract_strided_slice %get3A_1 {offsets = [0, 0], sizes = [1280, 3], strides = [1, 1]} : vector<1280x8xf32> to vector<1280x3xf32>
    %mul3A = arith.mulf %slice3A, %slice3A : vector<1280x3xf32>
    %reduce_sum3A = arith.constant dense<0.000000e+00> : vector<1280xf32>
    %reduce_sum3A_2 = vector.multi_reduction <add>, %mul3A, %reduce_sum3A [1] : vector<1280x3xf32> to vector<1280xf32>
    %broadcast_in_dim3A = vector.shape_cast %reduce_sum3A_2 : vector<1280xf32> to vector<1280x1xf32>
    %add3A = arith.constant 9.99999971E-10 : f32
    %add3A_3 = vector.broadcast %add3A : f32 to vector<1280x1xf32>
    %add3A_4 = arith.addf %broadcast_in_dim3A, %add3A_3 : vector<1280x1xf32>
    %sqrt3A = math.sqrt %add3A_4 : vector<1280x1xf32>
    %mul3A_5 = arith.constant 0.166666672 : f32
    %mul3A_6 = vector.broadcast %mul3A_5 : f32 to vector<1280x1xf32>
    %mul3A_7 = arith.mulf %sqrt3A, %mul3A_6 : vector<1280x1xf32>
    %div3A = arith.constant 1.000000e+00 : f32
    %div3A_8 = vector.broadcast %div3A : f32 to vector<1280x1xf32>
    %div3A_9 = arith.divf %div3A_8, %mul3A_7 : vector<1280x1xf32>
    %mul3A_10 = arith.mulf %mul3A_7, %mul3A_7 : vector<1280x1xf32>
    %mul3A_11 = arith.mulf %mul3A_10, %mul3A_10 : vector<1280x1xf32>
    %mul3A_12 = arith.mulf %mul3A_11, %mul3A_7 : vector<1280x1xf32>
    %mul3A_13 = arith.constant -2.100000e+01 : f32
    %mul3A_14 = vector.broadcast %mul3A_13 : f32 to vector<1280x1xf32>
    %mul3A_15 = arith.mulf %mul3A_7, %mul3A_14 : vector<1280x1xf32>
    %add3A_16 = arith.constant 4.800000e+01 : f32
    %add3A_17 = vector.broadcast %add3A_16 : f32 to vector<1280x1xf32>
    %add3A_18 = arith.addf %add3A_17, %mul3A_15 : vector<1280x1xf32>
    %mul3A_19 = arith.mulf %mul3A_7, %add3A_18 : vector<1280x1xf32>
    %add3A_20 = arith.constant -2.800000e+01 : f32
    %add3A_21 = vector.broadcast %add3A_20 : f32 to vector<1280x1xf32>
    %add3A_22 = arith.addf %add3A_21, %mul3A_19 : vector<1280x1xf32>
    %mul3A_23 = arith.mulf %mul3A_12, %add3A_22 : vector<1280x1xf32>
    %add3A_24 = arith.addf %div3A_9, %mul3A_23 : vector<1280x1xf32>
    %lt3A = arith.constant 1.000000e+00 : f32
    %lt3A_25 = vector.broadcast %lt3A : f32 to vector<1280x1xf32>
    %lt3A_26 = arith.cmpf olt, %mul3A_7, %lt3A_25 : vector<1280x1xf32>
    %jit3A = arith.constant 0.000000e+00 : f32
    %broadcast_in_dim3A_27 = vector.broadcast %jit3A : f32 to vector<1280x1xf32>
    %select_n3A = arith.select %lt3A_26, %add3A_24, %broadcast_in_dim3A_27 : vector<1280x1xi1>, vector<1280x1xf32>
    %get3A_28 = arith.constant 0 : index
    %get3A_29 = arith.constant 0 : index
    %get3A_30 = vector.load %arg5[%get3A_28, %get3A_29] : memref<1x12xf32, #tpu.memory_space<vmem>>, vector<1x12xf32>
    %mul3A_31 = vector.broadcast %mul3A_7 : vector<1280x1xf32> to vector<1280x12xf32>
    %mul3A_32 = vector.broadcast %get3A_30 : vector<1x12xf32> to vector<1280x12xf32>
    %mul3A_33 = arith.mulf %mul3A_31, %mul3A_32 : vector<1280x12xf32>
    %sin3A = math.sin %mul3A_33 : vector<1280x12xf32>
    %mul3A_34 = vector.broadcast %select_n3A : vector<1280x1xf32> to vector<1280x12xf32>
    %mul3A_35 = arith.mulf %mul3A_34, %sin3A : vector<1280x12xf32>
    %get3A_36 = arith.constant 0 : index
    %get3A_37 = arith.constant 0 : index
    %get3A_38 = vector.load %arg3[%get3A_36, %get3A_37] : memref<12x128xf32, #tpu.memory_space<vmem>>, vector<12x128xf32>
    %dot_general3A = arith.constant dense<0.000000e+00> : vector<1280x128xf32>
    %dot_general3A_39 = tpu.matmul %mul3A_35, %get3A_38, %dot_general3A {dimension_numbers = #tpu.dot_dimension_numbers<[1], [0], [0], [1], [0, 0, 1, 1], [], []>, transpose_lhs_hint = false} : vector<1280x12xf32>, vector<12x128xf32>, vector<1280x128xf32> -> vector<1280x128xf32>
    %logistic3A = arith.negf %dot_general3A_39 : vector<1280x128xf32>
    %logistic3A_40 = math.exp %logistic3A : vector<1280x128xf32>
    %logistic3A_41 = arith.constant 1.000000e+00 : f32
    %logistic3A_42 = vector.broadcast %logistic3A_41 : f32 to vector<1280x128xf32>
    %logistic3A_43 = arith.addf %logistic3A_42, %logistic3A_40 : vector<1280x128xf32>
    %logistic3A_44 = arith.divf %logistic3A_42, %logistic3A_43 : vector<1280x128xf32>
    %mul3A_45 = arith.mulf %dot_general3A_39, %logistic3A_44 : vector<1280x128xf32>
    %slice3A_46 = vector.extract_strided_slice %get3A_1 {offsets = [0, 3], sizes = [1280, 1], strides = [1, 1]} : vector<1280x8xf32> to vector<1280x1xf32>
    %convert_element_type3A = arith.fptosi %slice3A_46 : vector<1280x1xf32> to vector<1280x1xi32>
    %iota3A = tpu.iota {dimensions = array<i32: 1>} : vector<1280x128xi32>
    %eq3A = vector.broadcast %convert_element_type3A : vector<1280x1xi32> to vector<1280x128xi32>
    %eq3A_47 = arith.cmpi eq, %eq3A, %iota3A : vector<1280x128xi32>
    %convert_element_type3A_48 = arith.extui %eq3A_47 : vector<1280x128xi1> to vector<1280x128xi32>
    %convert_element_type3A_49 = arith.sitofp %convert_element_type3A_48 : vector<1280x128xi32> to vector<1280x128xf32>
    %get3A_50 = arith.constant 0 : index
    %get3A_51 = arith.constant 0 : index
    %get3A_52 = vector.load %arg2[%get3A_50, %get3A_51] : memref<128x128xf32, #tpu.memory_space<vmem>>, vector<128x128xf32>
    %dot_general3A_53 = arith.constant dense<0.000000e+00> : vector<1280x128xf32>
    %dot_general3A_54 = tpu.matmul %convert_element_type3A_49, %get3A_52, %dot_general3A_53 {dimension_numbers = #tpu.dot_dimension_numbers<[1], [0], [0], [1], [0, 0, 1, 1], [], []>, transpose_lhs_hint = false} : vector<1280x128xf32>, vector<128x128xf32>, vector<1280x128xf32> -> vector<1280x128xf32>
    %mul3A_55 = arith.mulf %dot_general3A_54, %mul3A_45 : vector<1280x128xf32>
    %swap3A = arith.constant 0 : index
    %swap3A_56 = arith.constant 0 : index
    %swap3A_57 = vector.load %arg6[%swap3A, %swap3A_56] : memref<1280x128xf32, #tpu.memory_space<vmem>>, vector<1280x128xf32>
    tpu.vector_store %arg6[%swap3A, %swap3A_56], %mul3A_55 {strides = array<i32>} : memref<1280x128xf32, #tpu.memory_space<vmem>>, vector<1280x128xf32>,
    %get3A_58 = arith.constant 0 : index
    %get3A_59 = arith.constant 0 : index
    %get3A_60 = vector.load %arg4[%get3A_58, %get3A_59] : memref<128x32xf32, #tpu.memory_space<vmem>>, vector<128x32xf32>
    %dot_general3A_61 = arith.constant dense<0.000000e+00> : vector<1280x32xf32>
    %dot_general3A_62 = tpu.matmul %mul3A_55, %get3A_60, %dot_general3A_61 {dimension_numbers = #tpu.dot_dimension_numbers<[1], [0], [0], [1], [0, 0, 1, 1], [], []>, transpose_lhs_hint = false} : vector<1280x128xf32>, vector<128x32xf32>, vector<1280x32xf32> -> vector<1280x32xf32>
    %div3A_63 = vector.broadcast %sqrt3A : vector<1280x1xf32> to vector<1280x3xf32>
    %div3A_64 = arith.divf %slice3A, %div3A_63 : vector<1280x3xf32>
    %slice3A_65 = vector.extract_strided_slice %div3A_64 {offsets = [0, 0], sizes = [1280, 1], strides = [1, 1]} : vector<1280x3xf32> to vector<1280x1xf32>
    %mul3A_66 = vector.broadcast %slice3A_65 : vector<1280x1xf32> to vector<1280x32xf32>
    %mul3A_67 = arith.mulf %mul3A_66, %dot_general3A_62 : vector<1280x32xf32>
    %slice3A_68 = vector.extract_strided_slice %div3A_64 {offsets = [0, 1], sizes = [1280, 1], strides = [1, 1]} : vector<1280x3xf32> to vector<1280x1xf32>
    %mul3A_69 = vector.broadcast %slice3A_68 : vector<1280x1xf32> to vector<1280x32xf32>
    %mul3A_70 = arith.mulf %mul3A_69, %dot_general3A_62 : vector<1280x32xf32>
    %slice3A_71 = vector.extract_strided_slice %div3A_64 {offsets = [0, 2], sizes = [1280, 1], strides = [1, 1]} : vector<1280x3xf32> to vector<1280x1xf32>
    %mul3A_72 = vector.broadcast %slice3A_71 : vector<1280x1xf32> to vector<1280x32xf32>
    %mul3A_73 = arith.mulf %mul3A_72, %dot_general3A_62 : vector<1280x32xf32>
    %broadcast_in_dim3A_74 = arith.constant 0.000000e+00 : f32
    %broadcast_in_dim3A_75 = vector.broadcast %broadcast_in_dim3A_74 : f32 to vector<1280x32xf32>
    %concatenate3A = tpu.concatenate %mul3A_67, %mul3A_70, %mul3A_73, %broadcast_in_dim3A_75 in 1 : vector<1280x32xf32>, vector<1280x32xf32>, vector<1280x32xf32>, vector<1280x32xf32> -> vector<1280x128xf32>
    %swap3A_76 = arith.constant 0 : index
    %swap3A_77 = arith.constant 0 : index
    %swap3A_78 = vector.load %arg7[%swap3A_76, %swap3A_77] : memref<1280x128xf32, #tpu.memory_space<vmem>>, vector<1280x128xf32>
    tpu.vector_store %arg7[%swap3A_76, %swap3A_77], %concatenate3A {strides = array<i32>} : memref<1280x128xf32, #tpu.memory_space<vmem>>, vector<1280x128xf32>,
    return
  }
  func.func @transform_0(%arg0: i32) -> (i32, i32) {
    %c0_i32 = arith.constant 0 : i32
    %c0_i32_0 = arith.constant 0 : i32
    return %arg0, %c0_i32 : i32, i32
  }
  func.func @transform_1(%arg0: i32) -> (i32, i32) {
    %c0_i32 = arith.constant 0 : i32
    %c0_i32_0 = arith.constant 0 : i32
    %c0_i32_1 = arith.constant 0 : i32
    return %c0_i32, %c0_i32_0 : i32, i32
  }
  func.func @transform_2(%arg0: i32) -> (i32, i32) {
    %c0_i32 = arith.constant 0 : i32
    %c0_i32_0 = arith.constant 0 : i32
    %c0_i32_1 = arith.constant 0 : i32
    return %c0_i32, %c0_i32_0 : i32, i32
  }
  func.func @transform_3(%arg0: i32) -> (i32, i32) {
    %c0_i32 = arith.constant 0 : i32
    %c0_i32_0 = arith.constant 0 : i32
    %c0_i32_1 = arith.constant 0 : i32
    return %c0_i32, %c0_i32_0 : i32, i32
  }
  func.func @transform_4(%arg0: i32) -> (i32, i32) {
    %c0_i32 = arith.constant 0 : i32
    %c0_i32_0 = arith.constant 0 : i32
    %c0_i32_1 = arith.constant 0 : i32
    return %c0_i32, %c0_i32_0 : i32, i32
  }
  func.func @transform_5(%arg0: i32) -> (i32, i32) {
    %c0_i32 = arith.constant 0 : i32
    %c0_i32_0 = arith.constant 0 : i32
    return %arg0, %c0_i32 : i32, i32
  }
  func.func @transform_6(%arg0: i32) -> (i32, i32) {
    %c0_i32 = arith.constant 0 : i32
    %c0_i32_0 = arith.constant 0 : i32
    return %arg0, %c0_i32 : i32, i32
  }
}

module attributes {stable_mosaic.version = 14 : i64} {
  func.func @_node_update_body(%arg0: i32, %arg1: memref<2000x1xf32, #tpu.memory_space<vmem>>, %arg2: memref<2000x128xf32, #tpu.memory_space<vmem>>, %arg3: memref<2000x128xf32, #tpu.memory_space<vmem>>, %arg4: memref<128x128xf32, #tpu.memory_space<vmem>>, %arg5: memref<128x128xf32, #tpu.memory_space<vmem>>, %arg6: memref<32x128xf32, #tpu.memory_space<vmem>>, %arg7: memref<2000x128xf32, #tpu.memory_space<vmem>>) attributes {dimension_semantics = [#tpu.dimension_semantics<arbitrary>], iteration_bounds = array<i64: 5>, scalar_prefetch = 0 : i64, scratch_operands = 0 : i64, tpu.core_type = #tpu.core_type<tc>, window_params = [{transform_indices = @transform_0, window_bounds = array<i64: 2000, 1>}, {transform_indices = @transform_1, window_bounds = array<i64: 2000, 128>}, {transform_indices = @transform_2, window_bounds = array<i64: 2000, 128>}, {pipeline_mode = #tpu.pipeline_mode<synchronous>, transform_indices = @transform_3, window_bounds = array<i64: 128, 128>}, {pipeline_mode = #tpu.pipeline_mode<synchronous>, transform_indices = @transform_4, window_bounds = array<i64: 128, 128>}, {pipeline_mode = #tpu.pipeline_mode<synchronous>, transform_indices = @transform_5, window_bounds = array<i64: 32, 128>}, {transform_indices = @transform_6, window_bounds = array<i64: 2000, 128>}]} {
    %get3A = arith.constant 0 : index
    %get3A_0 = arith.constant 0 : index
    %get3A_1 = vector.load %arg1[%get3A, %get3A_0] : memref<2000x1xf32, #tpu.memory_space<vmem>>, vector<2000x1xf32>
    %convert_element_type3A = arith.fptosi %get3A_1 : vector<2000x1xf32> to vector<2000x1xi32>
    %iota3A = tpu.iota {dimensions = array<i32: 1>} : vector<2000x128xi32>
    %eq3A = vector.broadcast %convert_element_type3A : vector<2000x1xi32> to vector<2000x128xi32>
    %eq3A_2 = arith.cmpi eq, %eq3A, %iota3A : vector<2000x128xi32>
    %convert_element_type3A_3 = arith.extui %eq3A_2 : vector<2000x128xi1> to vector<2000x128xi32>
    %convert_element_type3A_4 = arith.sitofp %convert_element_type3A_3 : vector<2000x128xi32> to vector<2000x128xf32>
    %get3A_5 = arith.constant 0 : index
    %get3A_6 = arith.constant 0 : index
    %get3A_7 = vector.load %arg4[%get3A_5, %get3A_6] : memref<128x128xf32, #tpu.memory_space<vmem>>, vector<128x128xf32>
    %dot_general3A = arith.constant dense<0.000000e+00> : vector<2000x128xf32>
    %dot_general3A_8 = tpu.matmul %convert_element_type3A_4, %get3A_7, %dot_general3A {dimension_numbers = #tpu.dot_dimension_numbers<[1], [0], [0], [1], [0, 0, 1, 1], [], []>, transpose_lhs_hint = false} : vector<2000x128xf32>, vector<128x128xf32>, vector<2000x128xf32> -> vector<2000x128xf32>
    %get3A_9 = arith.constant 0 : index
    %get3A_10 = arith.constant 0 : index
    %get3A_11 = vector.load %arg2[%get3A_9, %get3A_10] : memref<2000x128xf32, #tpu.memory_space<vmem>>, vector<2000x128xf32>
    %get3A_12 = arith.constant 0 : index
    %get3A_13 = arith.constant 0 : index
    %get3A_14 = vector.load %arg5[%get3A_12, %get3A_13] : memref<128x128xf32, #tpu.memory_space<vmem>>, vector<128x128xf32>
    %dot_general3A_15 = arith.constant dense<0.000000e+00> : vector<2000x128xf32>
    %dot_general3A_16 = tpu.matmul %get3A_11, %get3A_14, %dot_general3A_15 {dimension_numbers = #tpu.dot_dimension_numbers<[1], [0], [0], [1], [0, 0, 1, 1], [], []>, transpose_lhs_hint = false} : vector<2000x128xf32>, vector<128x128xf32>, vector<2000x128xf32> -> vector<2000x128xf32>
    %logistic3A = arith.negf %dot_general3A_16 : vector<2000x128xf32>
    %logistic3A_17 = math.exp %logistic3A : vector<2000x128xf32>
    %logistic3A_18 = arith.constant 1.000000e+00 : f32
    %logistic3A_19 = vector.broadcast %logistic3A_18 : f32 to vector<2000x128xf32>
    %logistic3A_20 = arith.addf %logistic3A_19, %logistic3A_17 : vector<2000x128xf32>
    %logistic3A_21 = arith.divf %logistic3A_19, %logistic3A_20 : vector<2000x128xf32>
    %mul3A = arith.mulf %dot_general3A_16, %logistic3A_21 : vector<2000x128xf32>
    %add3A = arith.addf %dot_general3A_8, %mul3A : vector<2000x128xf32>
    %get3A_22 = arith.constant 0 : index
    %get3A_23 = arith.constant 0 : index
    %get3A_24 = vector.load %arg3[%get3A_22, %get3A_23] : memref<2000x128xf32, #tpu.memory_space<vmem>>, vector<2000x128xf32>
    %slice3A = vector.extract_strided_slice %get3A_24 {offsets = [0, 0], sizes = [2000, 32], strides = [1, 1]} : vector<2000x128xf32> to vector<2000x32xf32>
    %slice3A_25 = vector.extract_strided_slice %get3A_24 {offsets = [0, 32], sizes = [2000, 32], strides = [1, 1]} : vector<2000x128xf32> to vector<2000x32xf32>
    %slice3A_26 = vector.extract_strided_slice %get3A_24 {offsets = [0, 64], sizes = [2000, 32], strides = [1, 1]} : vector<2000x128xf32> to vector<2000x32xf32>
    %mul3A_27 = arith.mulf %slice3A, %slice3A : vector<2000x32xf32>
    %mul3A_28 = arith.mulf %slice3A_25, %slice3A_25 : vector<2000x32xf32>
    %add3A_29 = arith.addf %mul3A_27, %mul3A_28 : vector<2000x32xf32>
    %mul3A_30 = arith.mulf %slice3A_26, %slice3A_26 : vector<2000x32xf32>
    %add3A_31 = arith.addf %add3A_29, %mul3A_30 : vector<2000x32xf32>
    %add3A_32 = arith.constant 9.99999971E-10 : f32
    %add3A_33 = vector.broadcast %add3A_32 : f32 to vector<2000x32xf32>
    %add3A_34 = arith.addf %add3A_31, %add3A_33 : vector<2000x32xf32>
    %sqrt3A = math.sqrt %add3A_34 : vector<2000x32xf32>
    %get3A_35 = arith.constant 0 : index
    %get3A_36 = arith.constant 0 : index
    %get3A_37 = vector.load %arg6[%get3A_35, %get3A_36] : memref<32x128xf32, #tpu.memory_space<vmem>>, vector<32x128xf32>
    %dot_general3A_38 = arith.constant dense<0.000000e+00> : vector<2000x128xf32>
    %dot_general3A_39 = tpu.matmul %sqrt3A, %get3A_37, %dot_general3A_38 {dimension_numbers = #tpu.dot_dimension_numbers<[1], [0], [0], [1], [0, 0, 1, 1], [], []>, transpose_lhs_hint = false} : vector<2000x32xf32>, vector<32x128xf32>, vector<2000x128xf32> -> vector<2000x128xf32>
    %add3A_40 = arith.addf %add3A, %dot_general3A_39 : vector<2000x128xf32>
    %swap3A = arith.constant 0 : index
    %swap3A_41 = arith.constant 0 : index
    %swap3A_42 = vector.load %arg7[%swap3A, %swap3A_41] : memref<2000x128xf32, #tpu.memory_space<vmem>>, vector<2000x128xf32>
    tpu.vector_store %arg7[%swap3A, %swap3A_41], %add3A_40 {strides = array<i32>} : memref<2000x128xf32, #tpu.memory_space<vmem>>, vector<2000x128xf32>,
    return
  }
  func.func @transform_0(%arg0: i32) -> (i32, i32) {
    %c0_i32 = arith.constant 0 : i32
    %c0_i32_0 = arith.constant 0 : i32
    return %arg0, %c0_i32 : i32, i32
  }
  func.func @transform_1(%arg0: i32) -> (i32, i32) {
    %c0_i32 = arith.constant 0 : i32
    %c0_i32_0 = arith.constant 0 : i32
    return %arg0, %c0_i32 : i32, i32
  }
  func.func @transform_2(%arg0: i32) -> (i32, i32) {
    %c0_i32 = arith.constant 0 : i32
    %c0_i32_0 = arith.constant 0 : i32
    return %arg0, %c0_i32 : i32, i32
  }
  func.func @transform_3(%arg0: i32) -> (i32, i32) {
    %c0_i32 = arith.constant 0 : i32
    %c0_i32_0 = arith.constant 0 : i32
    %c0_i32_1 = arith.constant 0 : i32
    return %c0_i32, %c0_i32_0 : i32, i32
  }
  func.func @transform_4(%arg0: i32) -> (i32, i32) {
    %c0_i32 = arith.constant 0 : i32
    %c0_i32_0 = arith.constant 0 : i32
    %c0_i32_1 = arith.constant 0 : i32
    return %c0_i32, %c0_i32_0 : i32, i32
  }
  func.func @transform_5(%arg0: i32) -> (i32, i32) {
    %c0_i32 = arith.constant 0 : i32
    %c0_i32_0 = arith.constant 0 : i32
    %c0_i32_1 = arith.constant 0 : i32
    return %c0_i32, %c0_i32_0 : i32, i32
  }
  func.func @transform_6(%arg0: i32) -> (i32, i32) {
    %c0_i32 = arith.constant 0 : i32
    %c0_i32_0 = arith.constant 0 : i32
    return %arg0, %c0_i32 : i32, i32
  }
}

</mosaic_0001>

<sc_bundles>
// kernel: kernel.6.cloned.1.call-start
scs
__scs_entry_jumppad:
0x0: {  	(pc) =	sbr.rel $0x88, $3  }
0x1: {  	(tag) =	ssettag $0x0;
	lr =	simm.s32 $0x1  }
0x2: {  	[smem:$0x3F98] =	sst lr;
	_ =	strace $0xD0000000  }
0x3: {  	_ = 	snop  }
0x4: {  	_ = 	snop  }
0x5: {  	_ = 	snop  }
0x6: {  	_ = 	snop  }
0x7: {  	_ = 	snop  }
__scs_overlays_trampoline_lowered:
0x8: {  	[smem:$0x3FA7] =	sst s0  }
0x9: {  	[smem:$0x3FA8] =	sst s1  }
0xa: {  	[smem:$0x3FA9] =	sst s2  }
0xb: {  	[smem:$0x3FAA] =	sst s3  }
0xc: {  	[smem:$0x3FAB] =	sst s4  }
0xd: {  	[smem:$0x3FAC] =	sst s5  }
0xe: {  	[smem:$0x3FAD] =	sst s6  }
0xf: {  	[smem:$0x3FAE] =	sst s7  }
0x10: {  	[smem:$0x3FAF] =	sst s8  }
0x11: {  	[smem:$0x3FB0] =	sst s9;
	s0 =	simm.s32 @!p0 $0x0  }
0x12: {  	s1 =	sld [smem:$0x3F96];
	s0 =	simm.s32 @p0 $0x1  }
0x13: {  	[smem:$0x3FB1] =	sst s0;
	s0 =	simm.s32 @!p1 $0x0  }
0x14: {  	s2 =	sld [smem:$0x3F95];
	s0 =	simm.s32 @p1 $0x1  }
0x15: {  	[smem:$0x3FB2] =	sst s0;
	s0 =	simm.s32 @!p2 $0x0  }
0x16: {  	s3 =	sld [smem:$0x3FDB];
	s0 =	simm.s32 @p2 $0x1  }
0x17: {  	s4 =	simm.s32 $0x1BF5;
	[smem:$0x3FB4] =	sst s0  }
0x18: {  	s0 =	sld [smem:$0x3F97];
	_ =	swait.ge [sflag:s4], $0x0  }
0x19: {  	s7 =	sld [smem:$0x3F98]  }
0x1a: {  	s8 =	sadd.s32 $0xFFFFE003, lr  }
0x1b: {  	s9 =	sadd.s32 $0xFFFFFEF7, lr;
	s5 =	simm.s32 $0xFFFFFFFF;
	p2 =	slt.u32 s8, $0xFFFFF086  }
0x1c: {  	p1 =	slt.u32 s9, $0xF7A;
	s5 =	simm.s32 @!p2 $0x0  }
0x1d: {  	s5 =	simm.s32 @p1 $0x1;
	p0 =	seq.s32 s7, s2  }
0x1e: {  	s7 =	smul.u32 @!p0 $0xF7A, s2;
	p2 =	seq.s32 @!p0 s5, $0x0  }
0x1f: {  	s9 =	smul.u32 $0xF7A, s1;
	s8 =	simm.s32 @!p0 $0x1BF5;
	p2 =	por !p2, p0  }
0x20: {  	[sflag:s8] =	ssyncset.s32 @!p0 $0xFFFFF086;
	s6 =	sadd.s32 @!p0 s3, s7;
	s7 =	simm.s32 @!p0 $0x108  }
0x21: {  	s3 =	sadd.s32 s3, s9;
	s6 =	sadd.s32 @!p0 $0x88, s6;
	s7 =	simm.s32 @p2 $0x1082  }
0x22: {  	[simem:s7], [sflag:s8] =	dma.local @!p0 [hbm:s6], $0xF7A  }
0x23: {  	s9 =	sor.u32 $0xD0000000, s2;
	s6 =	simm.s32 $0x108;
	_ =	swait.ge @!p0 [sflag:s8], $0x0  }
0x24: {  	s3 =	sadd.s32 $0x88, s3;
	s6 =	simm.s32 @!p1 $0x1082;
	[sflag:s4] =	ssyncset.s32 $0xFFFFF086  }
0x25: {  	[simem:s6], [sflag:s4] =	dma.local [hbm:s3], $0xF7A  }
0x26: {  	[smem:$0x3F98] =	sst s1;
	(tag) =	ssettag s2;
	_ =	strace s9  }
0x27: {  	s1 =	sld [smem:$0x3FA8]  }
0x28: {  	s2 =	sld [smem:$0x3FA9]  }
0x29: {  	s4 =	sld [smem:$0x3FAB]  }
0x2a: {  	p0 =	seq.s32 s5, $0x0;
	s5 =	sld [smem:$0x3FAC]  }
0x2b: {  	s6 =	sld [smem:$0x3FAD]  }
0x2c: {  	s7 =	sld [smem:$0x3FAE]  }
0x2d: {  	s3 =	simm.s32 $0x108;
	s8 =	sld [smem:$0x3FAF]  }
0x2e: {  	s3 =	simm.s32 @!p0 $0x1082;
	s9 =	sld [smem:$0x3FB0]  }
0x2f: {  	lr =	sadd.s32 s0, s3;
	s0 =	sld [smem:$0x3FA7]  }
0x30: {  	s3 =	sld [smem:$0x3FAA]  }
0x31: {  	[smem:$0x3FB3] =	sst s10  }
0x32: {  	s10 =	sld [smem:$0x3FB1];
	_ =	sdelay $0x3  }
0x33: {  	p0 =	seq.s32 s10, $0x1;
	s10 =	sld [smem:$0x3FB3];
	_ =	sdelay $0x3  }
0x34: {  	[smem:$0x3FB3] =	sst s10  }
0x35: {  	s10 =	sld [smem:$0x3FB2];
	_ =	sdelay $0x3  }
0x36: {  	p1 =	seq.s32 s10, $0x1;
	s10 =	sld [smem:$0x3FB3];
	_ =	sdelay $0x3  }
0x37: {  	[smem:$0x3FB3] =	sst s10  }
0x38: {  	s10 =	sld [smem:$0x3FB4]  }
0x39: {  	_ = 	snop;
	(pc) =	sbr.ind lr, $3  }
0x3a: {  	_ = 	snop  }
0x3b: {  	_ = 	snop  }
0x3c: {  	p2 =	seq.s32 s10, $0x1;
	s10 =	sld [smem:$0x3FB3]  }
0x3d: {  	_ =	shalt  }
0x3e: {  	_ =	shalt  }
0x3f: {  	_ =	shalt  }
0x40: {  	_ =	shalt  }
0x41: {  	_ =	shalt  }
0x42: {  	_ =	shalt  }
0x43: {  	_ =	shalt  }
0x44: {  	_ =	shalt  }
0x45: {  	_ =	shalt  }
0x46: {  	_ =	shalt  }
0x47: {  	_ =	shalt  }
0x48: {  	_ =	shalt  }
0x49: {  	_ =	shalt  }
0x4a: {  	_ =	shalt  }
0x4b: {  	_ =	shalt  }
0x4c: {  	_ =	shalt  }
0x4d: {  	_ =	shalt  }
0x4e: {  	_ =	shalt  }
0x4f: {  	_ =	shalt  }
0x50: {  	_ =	shalt  }
0x51: {  	_ =	shalt  }
0x52: {  	_ =	shalt  }
0x53: {  	_ =	shalt  }
0x54: {  	_ =	shalt  }
0x55: {  	_ =	shalt  }
0x56: {  	_ =	shalt  }
0x57: {  	_ =	shalt  }
0x58: {  	_ =	shalt  }
0x59: {  	_ =	shalt  }
0x5a: {  	_ =	shalt  }
0x5b: {  	_ =	shalt  }
0x5c: {  	_ =	shalt  }
0x5d: {  	_ =	shalt  }
0x5e: {  	_ =	shalt  }
0x5f: {  	_ =	shalt  }
0x60: {  	_ =	shalt  }
0x61: {  	_ =	shalt  }
0x62: {  	_ =	shalt  }
0x63: {  	_ =	shalt  }
0x64: {  	_ =	shalt  }
0x65: {  	_ =	shalt  }
0x66: {  	_ =	shalt  }
0x67: {  	_ =	shalt  }
0x68: {  	_ =	shalt  }
0x69: {  	_ =	shalt  }
0x6a: {  	_ =	shalt  }
0x6b: {  	_ =	shalt  }
0x6c: {  	_ =	shalt  }
0x6d: {  	_ =	shalt  }
0x6e: {  	_ =	shalt  }
0x6f: {  	_ =	shalt  }
0x70: {  	_ =	shalt  }
0x71: {  	_ =	shalt  }
0x72: {  	_ =	shalt  }
0x73: {  	_ =	shalt  }
0x74: {  	_ =	shalt  }
0x75: {  	_ =	shalt  }
0x76: {  	_ =	shalt  }
0x77: {  	_ =	shalt  }
0x78: {  	_ =	shalt  }
0x79: {  	_ =	shalt  }
0x7a: {  	_ =	shalt  }
0x7b: {  	_ =	shalt  }
0x7c: {  	_ =	shalt  }
0x7d: {  	_ =	shalt  }
0x7e: {  	_ =	shalt  }
0x7f: {  	_ =	shalt  }
0x80: {  	_ =	shalt  }
0x81: {  	_ =	shalt  }
0x82: {  	_ =	shalt  }
0x83: {  	_ =	shalt  }
0x84: {  	_ =	shalt  }
0x85: {  	_ =	shalt  }
0x86: {  	_ =	shalt  }
0x87: {  	_ =	shalt  }
.Lfunc_end0:
.L_simem_size_0:
called_computation_lowered:
.L_overlay_start_0:
0x88: {  	s2 =	sld [smem:$0x3FD9]  }
0x89: {  	s3 =	sld [smem:$0x3FFE];
	_ =	sdelay $0x1  }
0x8a: {  	s1 =	srdreg.scid  }
0x8b: {  	s0 =	sand.u32 $0x1, s1  }
0x8c: {  	s17 =	sshll.u32 s0, $0xA;
	s2 =	sadd.s32 s3, s2  }
0x8d: {  	s2 =	sadd.s32 s2, s17  }
0x8e: {  	[smem:$0x3FBF] =	sst s2  }
0x8f: {  	_ = 	snop  }
0x90: {  	s2 =	sld [smem:$0x3FC9]  }
0x91: {  	s18 =	sld [smem:$0x3FD0];
	(tm) =	ssettm $0x1  }
0x92: {  	s4 =	sld [smem:$0x3FFB];
	_ =	sdelay $0x3  }
0x93: {  	_ =	strace s4  }
0x94: {  	s4 =	sld [smem:$0x3FFC];
	_ =	sdelay $0x3  }
0x95: {  	_ =	strace s4  }
0x96: {  	s4 =	sld [smem:$0x3FFD];
	_ =	sdelay $0x3  }
0x97: {  	_ =	strace s4  }
0x98: {  	_ =	strace $0x8FFFFFFF  }
0x99: {  	s19 =	sld [smem:$0x3FDB];
	_ =	sdelay $0x1  }
0x9a: {  	s5 =	simm.s32 $_scs_section_size  }
0x9b: {  	s6 =	simm.s32 $_size__tile_overlayer_lowered;
	s7 =	simm.s32 $_tile_overlayer_lowered  }
0x9c: {  	s22 =	simm.s32 $0x1BFF;
	s21 =	sshll.u32 s7, $0x1;
	s4 =	sadd.s32 s5, s19  }
0x9d: {  	s8 =	simm.s32 $0x0;
	s20 =	sshll.u32 s6, $0x1;
	s6 =	sadd.s32 s21, s4  }
0x9e: {  	[timem:s8], [sflag:s22] =	dma.local [hbm:s6], s20  }
0x9f: {  	_ =	swait.ge [sflag:s22], s20  }
0xa0: {  	s5 =	ssub.s32 $0x0, s20;
	[sflag:s22] =	ssyncset.done $0x0  }
0xa1: {  	[sflag:s22] =	ssyncadd.s32 s5;
	_ =	sdelay $0x1  }
0xa2: {  	s23 =	simm.s32 $0x1B8B  }
0xa3: {  	_ =	swait.ge [sflag:s23], $0x1  }
0xa4: {  	[sflag:s23] =	ssyncset.done $0x0  }
0xa5: {  	s25 =	simm.s32 $0x1B8E;
	s24 =	sld [smem:$0x3FFE];
	[sflag:s23] =	ssyncadd.s32 $0xFFFFFFFF  }
0xa6: {  	s26 =	simm.s32 $execute0_lowered;
	[smem:$0x3FD2] =	sst s25  }
0xa7: {  	s6 =	sshll.u32 s26, $0x1;
	_ =	strace $0x80000046;
	[dreg:$0x1] =	wrdreg $0xFFFFFFFF  }
0xa8: {  	s28 =	simm.s32 $_size_execute0_lowered;
	s4 =	sadd.s32 s4, s6;
	[dreg:$0x0] =	wrdreg $0x0  }
0xa9: {  	s6 =	sshll.u32 s28, $0x1;
	[dreg:$0x2] =	wrdreg s4  }
0xaa: {  	[dreg:$0x3] =	wrdreg s6  }
0xab: {  	[dreg:$0x4] =	wrdreg $0xC0  }
0xac: {  	_ =	task [dreg:s8], $0x5FFFF  }
0xad: {  	[dreg:$0x1] =	wrdreg $0xFFFFFFFF  }
0xae: {  	[dreg:$0x0] =	wrdreg $0x60  }
0xaf: {  	[dreg:$0x2] =	wrdreg s18  }
0xb0: {  	[dreg:$0x3] =	wrdreg s24  }
0xb1: {  	[dreg:$0x4] =	wrdreg s2  }
0xb2: {  	[dreg:$0x5] =	wrdreg $0x9  }
0xb3: {  	_ =	task.clear_ibuf [dreg:s8], $0x6FFFF;
	_ =	strace $0x90000046  }
0xb4: {  	s29 =	simm.s32 $0x9;
	_ =	strace $0x80000048  }
0xb5: {  	_ =	swait.ge [sflag:s29], $0x1  }
0xb6: {  	[sflag:s29] =	ssyncadd.s32 $0xFFFFFFFF  }
0xb7: {  	_ =	strace $0x90000048  }
0xb8: {  	_ =	sfence  }
0xb9: {  	s30 =	sld [smem:$0x0];
	_ =	sdelay $0x2  }
0xba: {  	s31 =	sshll.u32 s1, $0xD;
	s1 =	sshrl.u32 s1, $0x2  }
0xbb: {  	s3 =	sand.u32 $0x4000, s31;
	s1 =	sadd.s32 s1, s30  }
0xbc: {  	s0 =	sor.u32 s3, s0;
	s1 =	sshll.u32 s1, $0x11  }
0xbd: {  	s0 =	sor.u32 s1, s0  }
0xbe: {  	s0 =	sadd.s32 $0x8F2B, s0  }
0xbf: {  	[sflag:s0] =	ssyncadd.remote.s32 $0x1  }
0xc0: {  	_ =	sfence.sel $0xFFFF  }
0xc1: {  	[dreg:$0x0] =	wrdreg $0xFFFFFFFF;
	(pc) =	sbr.abs _section_cstart, $3  }
0xc2: {  	[dreg:$0x1] =	wrdreg $0xFFFFFFFF  }
0xc3: {  	_ =	task.clear_ibuf [dreg:s8], $0x2FFFF;
	_ =	strace $0x9FFFFFFF  }
0xc4: {  	(tm) =	ssettm $0x7FFFFFFF  }
0xc5: {  	_ =	shalt  }
tec
execute0_lowered:
.L_overlay_start_1:
0x0: {  	(tag) =	ssettag $0x1  }
0x1: {  	s1 =	rddreg [dreg:$0x0]  }
0x2: {  	s7 =	rddreg [dreg:$0x1]  }
0x3: {  	s2 =	rddreg [dreg:$0x2]  }
0x4: {  	s0 =	rddreg [dreg:$0x3];
	s3 =	simm.s32 $0x0;
	s4 =	srdreg.scid  }
0x5: {  	s12 =	simm.s32 $0xA100;
	s13 =	simm.s32 $0x0;
	[smem:$0x7FF] =	sst s3  }
0x6: {  	s8 =	sand.u32 $0x1, s4;
	s5 =	sadd.s32 $0x1C00, s7;
	s4 =	stileid.u32  }
0x7: {  	s6 =	sadd.s32 $0xBA00, s7;
	s7 =	sadd.s32 $0xCA00, s7;
	s9 =	ssub.s32 $0x2, s8  }
0x8: {  	_ =	strace $0x80000047;
	s11 =	sshll.u32 s4, $0x1;
	s10 =	sshrl.u32 s9, $0x1  }
0x9: {  	v0 =	vlaneseq.u32;
	s8 =	sor.u32 s8, s11;
	s11 =	simm.s32 $0x7580;
	s9 =	ssub.s32 s9, s10  }
0xa: {  	v0 =	vmul.u32 $0x8, v0;
	s8 =	smul.u32 $0x2710, s8;
	s10 =	simm.s32 $0x1;
	s9 =	smax.u32 s9, $0x1  }
.LBB2_1:
0xb: {  	[tilespmem:s3], [sflag:$0x1] =	stream.linear.gather [hbm4b:s6+s3], $0x7580, $0x38;
	[tilespmem:$0xAD80] =	vst v63  }
0xc: {  	_ =	swait.ge [sflag:s10], $0x7580  }
0xd: {  	[sflag:s10] =	ssyncset.done $0x0  }
0xe: {  	[sflag:s10] =	ssyncadd.s32 $0xFFFF8A80  }
0xf: {  	[tilespmem:s11], [sflag:$0x1] =	stream.linear.gather [hbm4b:s2+s3], $0x2780, $0x38;
	[tilespmem:$0xAD80] =	vst v63  }
0x10: {  	_ =	swait.ge [sflag:s10], $0x2780  }
0x11: {  	[sflag:s10] =	ssyncset.done $0x0  }
0x12: {  	s14 =	simm.s32 $0x0;
	[sflag:s10] =	ssyncadd.s32 $0xFFFFD880  }
.LBB2_2:
0x13: {  	s15 =	smul.u32 $0x190, s14;
	_ =	sdelay $0x1  }
0x14: {  	s15 =	sadd.s32 s8, s15  }
0x15: {  	s17 =	sshrl.u32 s15, $0x3  }
0x16: {  	s19 =	simm.s32 $0x0;
	s16 =	simm.s32 $0x9D00;
	s18 =	sadd.s32 s1, s17  }
0x17: {  	[tilespmem:s16], [sflag:$0x1] =	stream.linear.gather [hbm4b:s18+s19], $0x190, $0x38;
	[tilespmem:$0xAD80] =	vst v63  }
0x18: {  	_ =	swait.ge [sflag:s10], $0x190  }
0x19: {  	[sflag:s10] =	ssyncset.done $0x0  }
0x1a: {  	s31 =	sadd.s32 s5, s17;
	s17 =	simm.s32 $0x9F00;
	[sflag:s10] =	ssyncadd.s32 $0xFFFFFE70  }
0x1b: {  	[tilespmem:s17], [sflag:$0x1] =	stream.linear.gather [hbm4b:s31+s19], $0x190, $0x38;
	[tilespmem:$0xAD80] =	vst v63  }
0x1c: {  	_ =	swait.ge [sflag:s10], $0x190  }
0x1d: {  	[sflag:s10] =	ssyncset.done $0x0  }
0x1e: {  	[sflag:s10] =	ssyncadd.s32 $0xFFFFFE70  }
0x1f: {  	v1 =	vld [tilespmem:s16+$0x0]  }
0x20: {  	v2 =	vld [tilespmem:s17+$0x0];
	_ =	sdelay $0x3  }
0x21: {  	v3 =	vmul.u32 $0x3, v1  }
0x22: {  	v2 =	vmul.u32 $0x3, v2;
	_ =	sdelay $0x4  }
0x23: {  	v4 =	vld.idx.msk [tilespmem:v3+s3+$0x0], $0xffff  }
0x24: {  	v6 =	vmov s19;
	v5 =	vld.idx.msk [tilespmem:v2+s3+$0x0], $0xffff  }
0x25: {  	v6 =	vshll.u32 v6, $0x3  }
0x26: {  	v6 =	vor.u32 v0, v6  }
0x27: {  	v7 =	vadd.s32 $0x1, v3  }
0x28: {  	v8 =	vadd.s32 $0x1, v2  }
0x29: {  	v4 =	vsub.f32 v5, v4;
	_ =	sdelay $0x1  }
0x2a: {  	[tilespmem:v6+s12+$0x0] =	vst.idx.msk $0xffff, v4  }
0x2b: {  	v4 =	vld.idx.msk [tilespmem:v7+s3+$0x0], $0xffff  }
0x2c: {  	v61 =	vld.idx.msk [tilespmem:v8+s3+$0x0], $0xffff;
	_ =	sdelay $0x1  }
0x2d: {  	v62 =	vor.u32 $0x1, v6  }
0x2e: {  	v3 =	vadd.s32 $0x2, v3  }
0x2f: {  	v2 =	vadd.s32 $0x2, v2  }
0x30: {  	v4 =	vsub.f32 v61, v4;
	_ =	sdelay $0x1  }
0x31: {  	[tilespmem:v62+s12+$0x0] =	vst.idx.msk $0xffff, v4  }
0x32: {  	v3 =	vld.idx.msk [tilespmem:v3+s3+$0x0], $0xffff  }
0x33: {  	v2 =	vld.idx.msk [tilespmem:v2+s3+$0x0], $0xffff;
	_ =	sdelay $0x1  }
0x34: {  	v63 =	vor.u32 $0x2, v6;
	_ =	sdelay $0x2  }
0x35: {  	v2 =	vsub.f32 v2, v3;
	_ =	sdelay $0x1  }
0x36: {  	[tilespmem:v63+s12+$0x0] =	vst.idx.msk $0xffff, v2  }
0x37: {  	v2 =	vld.idx.msk [tilespmem:v1+s11+$0x0], $0xffff  }
0x38: {  	s18 =	simm.s32 $0x10;
	v1 =	vor.u32 $0x3, v6  }
.LBB2_3:
0x39: {  	_ =	sdelay $0x2  }
0x3a: {  	p0 =	sne.s32 s18, $0x180;
	s16 =	sadd.s32 $0x10, s16;
	s17 =	sadd.s32 $0x10, s17;
	v2 =	vcvt.s32.f32 v2  }
0x3b: {  	s19 =	smov.u32 s18;
	s18 =	sadd.s32 $0x10, s18  }
0x3c: {  	[tilespmem:v1+s12+$0x0] =	vst.idx.msk $0xffff, v2  }
0x3d: {  	v1 =	vld [tilespmem:s16+$0x0]  }
0x3e: {  	v2 =	vld [tilespmem:s17+$0x0];
	_ =	sdelay $0x3  }
0x3f: {  	v3 =	vmul.u32 $0x3, v1  }
0x40: {  	v2 =	vmul.u32 $0x3, v2;
	_ =	sdelay $0x4  }
0x41: {  	v4 =	vld.idx.msk [tilespmem:v3+s3+$0x0], $0xffff  }
0x42: {  	v5 =	vld.idx.msk [tilespmem:v2+s3+$0x0], $0xffff  }
0x43: {  	v6 =	vmov s19  }
0x44: {  	v6 =	vshll.u32 v6, $0x3  }
0x45: {  	v6 =	vor.u32 v0, v6  }
0x46: {  	v7 =	vadd.s32 $0x1, v3;
	v8 =	vadd.s32 $0x1, v2;
	_ =	sdelay $0x1  }
0x47: {  	v4 =	vsub.f32 v5, v4;
	_ =	sdelay $0x1  }
0x48: {  	[tilespmem:v6+s12+$0x0] =	vst.idx.msk $0xffff, v4  }
0x49: {  	v4 =	vld.idx.msk [tilespmem:v7+s3+$0x0], $0xffff  }
0x4a: {  	v5 =	vld.idx.msk [tilespmem:v8+s3+$0x0], $0xffff;
	_ =	sdelay $0x1  }
0x4b: {  	v7 =	vor.u32 $0x1, v6;
	_ =	sdelay $0x1  }
0x4c: {  	v3 =	vadd.s32 $0x2, v3;
	v2 =	vadd.s32 $0x2, v2;
	_ =	sdelay $0x1  }
0x4d: {  	v4 =	vsub.f32 v5, v4;
	_ =	sdelay $0x1  }
0x4e: {  	[tilespmem:v7+s12+$0x0] =	vst.idx.msk $0xffff, v4  }
0x4f: {  	v3 =	vld.idx.msk [tilespmem:v3+s3+$0x0], $0xffff  }
0x50: {  	v2 =	vld.idx.msk [tilespmem:v2+s3+$0x0], $0xffff  }
0x51: {  	v4 =	vor.u32 $0x2, v6;
	_ =	sdelay $0x4  }
.Ltmp0:
0x52: {  	v2 =	vsub.f32 v2, v3;
	(pc) =	sbr.rel @p0 .LBB2_3-.Ltmp0, $4  }
0x53: {  	_ = 	snop  }
0x54: {  	[tilespmem:v4+s12+$0x0] =	vst.idx.msk $0xffff, v2  }
0x55: {  	v2 =	vld.idx.msk [tilespmem:v1+s11+$0x0], $0xffff  }
0x56: {  	v1 =	vor.u32 $0x3, v6  }
0x57: {  	_ =	sdelay $0x2  }
0x58: {  	s14 =	sadd.s32 $0x1, s14;
	v2 =	vcvt.s32.f32 v2  }
0x59: {  	p0 =	sne.s32 s14, $0x19  }
.Ltmp1:
0x5a: {  	s15 =	sadd.s32 s7, s15;
	[tilespmem:v1+s12+$0x0] =	vst.idx.msk $0xffff, v2;
	(pc) =	sbr.rel @p0 .LBB2_2-.Ltmp1, $4  }
0x5b: {  	[hbm4b:s15+s3] =	stream.linear.scatter [tilespmem:s12], [sflag:$0x1], $0xC80, $0x38;
	[tilespmem:$0xAD80] =	vst v63  }
0x5c: {  	_ =	swait.ge [sflag:s10], $0xC80  }
0x5d: {  	[sflag:s10] =	ssyncset.done $0x0  }
0x5e: {  	[sflag:s10] =	ssyncadd.s32 $0xFFFFF380  }
0x5f: {  	s13 =	sadd.s32 $0x1, s13  }
0x60: {  	p0 =	sne.s32 s13, s9  }
.Ltmp2:
0x61: {  	_ = 	snop;
	(pc) =	sbr.rel @p0 .LBB2_1-.Ltmp2, $1  }
0x62: {  	_ =	sdelay $0x3  }
0x63: {  	_ =	sfence.sel $0x180000  }
0x64: {  	[bflag:$0x0] =	sbarrier.arrive $0xFFFF  }
0x65: {  	p0 =	sne.s32 s4, $0x0;
	_ =	strace $0x90000047  }
0x66: {  	s0 =	sadd.s32 @!p0 $0x100000, s0;
	[bflag:$0x2] =	sbarrier.arrive $0xFFFF  }
0x67: {  	[sflag:s0] =	ssyncadd.tile.s32 @!p0 $0x1;
	_ =	shalt  }
.Lfunc_end2:
_tile_overlayer_lowered:
.L_overlay_start_2:
0x68: {  	(tag) =	ssettag $0x2  }
0x69: {  	s0 =	rddreg [dreg:$0x0];
	s2 =	stileid.u32  }
0x6a: {  	s1 =	rddreg [dreg:$0x1];
	p0 =	sne.s32 s2, $0x0  }
0x6b: {  	s3 =	rddreg [dreg:$0x2];
	[bflag:$0x3] =	sbarrier.arrive $0xFFFF;
	s2 =	simm.s32 @!p0 $0x1C01  }
0x6c: {  	[timem:s3], [sflag:s2] =	dma.local @!p0 [hbm:s0], s1  }
0x6d: {  	s0 =	simm.s32 @!p0 $0x1  }
0x6e: {  	_ =	swait.ge @!p0 [sflag:s0], s1  }
0x6f: {  	s1 =	ssub.s32 @!p0 $0x0, s1;
	[sflag:s0] =	ssyncset.done @!p0 $0x0  }
0x70: {  	[sflag:s0] =	ssyncadd.s32 @!p0 s1  }
0x71: {  	[bflag:$0x3] =	sbarrier.arrive $0xFFFF  }
0x72: {  	_ =	shalt  }

// kernel: kernel.9.cloned.1.call-start
scs
__scs_entry_jumppad:
0x0: {  	(pc) =	sbr.rel $0x88, $3  }
0x1: {  	(tag) =	ssettag $0x0;
	lr =	simm.s32 $0x1  }
0x2: {  	[smem:$0x3F98] =	sst lr;
	_ =	strace $0xD0000000  }
0x3: {  	_ = 	snop  }
0x4: {  	_ = 	snop  }
0x5: {  	_ = 	snop  }
0x6: {  	_ = 	snop  }
0x7: {  	_ = 	snop  }
__scs_overlays_trampoline_lowered:
0x8: {  	[smem:$0x3FA7] =	sst s0  }
0x9: {  	[smem:$0x3FA8] =	sst s1  }
0xa: {  	[smem:$0x3FA9] =	sst s2  }
0xb: {  	[smem:$0x3FAA] =	sst s3  }
0xc: {  	[smem:$0x3FAB] =	sst s4  }
0xd: {  	[smem:$0x3FAC] =	sst s5  }
0xe: {  	[smem:$0x3FAD] =	sst s6  }
0xf: {  	[smem:$0x3FAE] =	sst s7  }
0x10: {  	[smem:$0x3FAF] =	sst s8  }
0x11: {  	[smem:$0x3FB0] =	sst s9;
	s0 =	simm.s32 @!p0 $0x0  }
0x12: {  	s1 =	sld [smem:$0x3F96];
	s0 =	simm.s32 @p0 $0x1  }
0x13: {  	[smem:$0x3FB1] =	sst s0;
	s0 =	simm.s32 @!p1 $0x0  }
0x14: {  	s2 =	sld [smem:$0x3F95];
	s0 =	simm.s32 @p1 $0x1  }
0x15: {  	[smem:$0x3FB2] =	sst s0;
	s0 =	simm.s32 @!p2 $0x0  }
0x16: {  	s3 =	sld [smem:$0x3FDB];
	s0 =	simm.s32 @p2 $0x1  }
0x17: {  	s4 =	simm.s32 $0x1BF5;
	[smem:$0x3FB4] =	sst s0  }
0x18: {  	s0 =	sld [smem:$0x3F97];
	_ =	swait.ge [sflag:s4], $0x0  }
0x19: {  	s7 =	sld [smem:$0x3F98]  }
0x1a: {  	s8 =	sadd.s32 $0xFFFFE003, lr  }
0x1b: {  	s9 =	sadd.s32 $0xFFFFFEF7, lr;
	s5 =	simm.s32 $0xFFFFFFFF;
	p2 =	slt.u32 s8, $0xFFFFF086  }
0x1c: {  	p1 =	slt.u32 s9, $0xF7A;
	s5 =	simm.s32 @!p2 $0x0  }
0x1d: {  	s5 =	simm.s32 @p1 $0x1;
	p0 =	seq.s32 s7, s2  }
0x1e: {  	s7 =	smul.u32 @!p0 $0xF7A, s2;
	p2 =	seq.s32 @!p0 s5, $0x0  }
0x1f: {  	s9 =	smul.u32 $0xF7A, s1;
	s8 =	simm.s32 @!p0 $0x1BF5;
	p2 =	por !p2, p0  }
0x20: {  	[sflag:s8] =	ssyncset.s32 @!p0 $0xFFFFF086;
	s6 =	sadd.s32 @!p0 s3, s7;
	s7 =	simm.s32 @!p0 $0x108  }
0x21: {  	s3 =	sadd.s32 s3, s9;
	s6 =	sadd.s32 @!p0 $0x88, s6;
	s7 =	simm.s32 @p2 $0x1082  }
0x22: {  	[simem:s7], [sflag:s8] =	dma.local @!p0 [hbm:s6], $0xF7A  }
0x23: {  	s9 =	sor.u32 $0xD0000000, s2;
	s6 =	simm.s32 $0x108;
	_ =	swait.ge @!p0 [sflag:s8], $0x0  }
0x24: {  	s3 =	sadd.s32 $0x88, s3;
	s6 =	simm.s32 @!p1 $0x1082;
	[sflag:s4] =	ssyncset.s32 $0xFFFFF086  }
0x25: {  	[simem:s6], [sflag:s4] =	dma.local [hbm:s3], $0xF7A  }
0x26: {  	[smem:$0x3F98] =	sst s1;
	(tag) =	ssettag s2;
	_ =	strace s9  }
0x27: {  	s1 =	sld [smem:$0x3FA8]  }
0x28: {  	s2 =	sld [smem:$0x3FA9]  }
0x29: {  	s4 =	sld [smem:$0x3FAB]  }
0x2a: {  	p0 =	seq.s32 s5, $0x0;
	s5 =	sld [smem:$0x3FAC]  }
0x2b: {  	s6 =	sld [smem:$0x3FAD]  }
0x2c: {  	s7 =	sld [smem:$0x3FAE]  }
0x2d: {  	s3 =	simm.s32 $0x108;
	s8 =	sld [smem:$0x3FAF]  }
0x2e: {  	s3 =	simm.s32 @!p0 $0x1082;
	s9 =	sld [smem:$0x3FB0]  }
0x2f: {  	lr =	sadd.s32 s0, s3;
	s0 =	sld [smem:$0x3FA7]  }
0x30: {  	s3 =	sld [smem:$0x3FAA]  }
0x31: {  	[smem:$0x3FB3] =	sst s10  }
0x32: {  	s10 =	sld [smem:$0x3FB1];
	_ =	sdelay $0x3  }
0x33: {  	p0 =	seq.s32 s10, $0x1;
	s10 =	sld [smem:$0x3FB3];
	_ =	sdelay $0x3  }
0x34: {  	[smem:$0x3FB3] =	sst s10  }
0x35: {  	s10 =	sld [smem:$0x3FB2];
	_ =	sdelay $0x3  }
0x36: {  	p1 =	seq.s32 s10, $0x1;
	s10 =	sld [smem:$0x3FB3];
	_ =	sdelay $0x3  }
0x37: {  	[smem:$0x3FB3] =	sst s10  }
0x38: {  	s10 =	sld [smem:$0x3FB4]  }
0x39: {  	_ = 	snop;
	(pc) =	sbr.ind lr, $3  }
0x3a: {  	_ = 	snop  }
0x3b: {  	_ = 	snop  }
0x3c: {  	p2 =	seq.s32 s10, $0x1;
	s10 =	sld [smem:$0x3FB3]  }
0x3d: {  	_ =	shalt  }
0x3e: {  	_ =	shalt  }
0x3f: {  	_ =	shalt  }
0x40: {  	_ =	shalt  }
0x41: {  	_ =	shalt  }
0x42: {  	_ =	shalt  }
0x43: {  	_ =	shalt  }
0x44: {  	_ =	shalt  }
0x45: {  	_ =	shalt  }
0x46: {  	_ =	shalt  }
0x47: {  	_ =	shalt  }
0x48: {  	_ =	shalt  }
0x49: {  	_ =	shalt  }
0x4a: {  	_ =	shalt  }
0x4b: {  	_ =	shalt  }
0x4c: {  	_ =	shalt  }
0x4d: {  	_ =	shalt  }
0x4e: {  	_ =	shalt  }
0x4f: {  	_ =	shalt  }
0x50: {  	_ =	shalt  }
0x51: {  	_ =	shalt  }
0x52: {  	_ =	shalt  }
0x53: {  	_ =	shalt  }
0x54: {  	_ =	shalt  }
0x55: {  	_ =	shalt  }
0x56: {  	_ =	shalt  }
0x57: {  	_ =	shalt  }
0x58: {  	_ =	shalt  }
0x59: {  	_ =	shalt  }
0x5a: {  	_ =	shalt  }
0x5b: {  	_ =	shalt  }
0x5c: {  	_ =	shalt  }
0x5d: {  	_ =	shalt  }
0x5e: {  	_ =	shalt  }
0x5f: {  	_ =	shalt  }
0x60: {  	_ =	shalt  }
0x61: {  	_ =	shalt  }
0x62: {  	_ =	shalt  }
0x63: {  	_ =	shalt  }
0x64: {  	_ =	shalt  }
0x65: {  	_ =	shalt  }
0x66: {  	_ =	shalt  }
0x67: {  	_ =	shalt  }
0x68: {  	_ =	shalt  }
0x69: {  	_ =	shalt  }
0x6a: {  	_ =	shalt  }
0x6b: {  	_ =	shalt  }
0x6c: {  	_ =	shalt  }
0x6d: {  	_ =	shalt  }
0x6e: {  	_ =	shalt  }
0x6f: {  	_ =	shalt  }
0x70: {  	_ =	shalt  }
0x71: {  	_ =	shalt  }
0x72: {  	_ =	shalt  }
0x73: {  	_ =	shalt  }
0x74: {  	_ =	shalt  }
0x75: {  	_ =	shalt  }
0x76: {  	_ =	shalt  }
0x77: {  	_ =	shalt  }
0x78: {  	_ =	shalt  }
0x79: {  	_ =	shalt  }
0x7a: {  	_ =	shalt  }
0x7b: {  	_ =	shalt  }
0x7c: {  	_ =	shalt  }
0x7d: {  	_ =	shalt  }
0x7e: {  	_ =	shalt  }
0x7f: {  	_ =	shalt  }
0x80: {  	_ =	shalt  }
0x81: {  	_ =	shalt  }
0x82: {  	_ =	shalt  }
0x83: {  	_ =	shalt  }
0x84: {  	_ =	shalt  }
0x85: {  	_ =	shalt  }
0x86: {  	_ =	shalt  }
0x87: {  	_ =	shalt  }
.Lfunc_end0:
.L_simem_size_0:
called_computation.1_lowered:
.L_overlay_start_0:
0x88: {  	s2 =	sld [smem:$0x3FD9]  }
0x89: {  	s3 =	sld [smem:$0x3FFE];
	_ =	sdelay $0x1  }
0x8a: {  	s1 =	srdreg.scid  }
0x8b: {  	s0 =	sand.u32 $0x1, s1  }
0x8c: {  	s17 =	sshll.u32 s0, $0xA;
	s2 =	sadd.s32 s3, s2  }
0x8d: {  	s2 =	sadd.s32 s2, s17  }
0x8e: {  	[smem:$0x3FBF] =	sst s2  }
0x8f: {  	_ = 	snop  }
0x90: {  	s2 =	sld [smem:$0x3FD0];
	(tm) =	ssettm $0x1  }
0x91: {  	s18 =	sld [smem:$0x3FFB];
	_ =	sdelay $0x3  }
0x92: {  	_ =	strace s18  }
0x93: {  	s3 =	sld [smem:$0x3FFC];
	_ =	sdelay $0x3  }
0x94: {  	_ =	strace s3  }
0x95: {  	s3 =	sld [smem:$0x3FFD];
	_ =	sdelay $0x3  }
0x96: {  	_ =	strace s3  }
0x97: {  	_ =	strace $0x8FFFFFFF  }
0x98: {  	s19 =	sld [smem:$0x3FDB];
	_ =	sdelay $0x1  }
0x99: {  	s4 =	simm.s32 $_scs_section_size  }
0x9a: {  	s5 =	simm.s32 $_size__tile_overlayer_lowered;
	s6 =	simm.s32 $_tile_overlayer_lowered  }
0x9b: {  	s22 =	simm.s32 $0x1BFF;
	s21 =	sshll.u32 s6, $0x1;
	s3 =	sadd.s32 s4, s19  }
0x9c: {  	s7 =	simm.s32 $0x0;
	s20 =	sshll.u32 s5, $0x1;
	s5 =	sadd.s32 s21, s3  }
0x9d: {  	[timem:s7], [sflag:s22] =	dma.local [hbm:s5], s20  }
0x9e: {  	_ =	swait.ge [sflag:s22], s20  }
0x9f: {  	s4 =	ssub.s32 $0x0, s20;
	[sflag:s22] =	ssyncset.done $0x0  }
0xa0: {  	[sflag:s22] =	ssyncadd.s32 s4;
	_ =	sdelay $0x1  }
0xa1: {  	s23 =	simm.s32 $0x1B8B  }
0xa2: {  	_ =	swait.ge [sflag:s23], $0x1  }
0xa3: {  	[sflag:s23] =	ssyncset.done $0x0  }
0xa4: {  	s25 =	simm.s32 $0x1B8E;
	s24 =	sld [smem:$0x3FFE];
	[sflag:s23] =	ssyncadd.s32 $0xFFFFFFFF  }
0xa5: {  	s26 =	simm.s32 $execute0_lowered;
	[smem:$0x3FD2] =	sst s25  }
0xa6: {  	s5 =	sshll.u32 s26, $0x1;
	_ =	strace $0x80000049;
	[dreg:$0x1] =	wrdreg $0xFFFFFFFF  }
0xa7: {  	s28 =	simm.s32 $_size_execute0_lowered;
	s3 =	sadd.s32 s3, s5;
	[dreg:$0x0] =	wrdreg $0x0  }
0xa8: {  	s5 =	sshll.u32 s28, $0x1;
	[dreg:$0x2] =	wrdreg s3  }
0xa9: {  	[dreg:$0x3] =	wrdreg s5  }
0xaa: {  	[dreg:$0x4] =	wrdreg $0xC0  }
0xab: {  	_ =	task [dreg:s7], $0x5FFFF  }
0xac: {  	[dreg:$0x1] =	wrdreg $0xFFFFFFFF  }
0xad: {  	[dreg:$0x0] =	wrdreg $0x60  }
0xae: {  	[dreg:$0x2] =	wrdreg s24  }
0xaf: {  	[dreg:$0x3] =	wrdreg s2  }
0xb0: {  	[dreg:$0x4] =	wrdreg $0x0  }
0xb1: {  	[dreg:$0x5] =	wrdreg $0x9  }
0xb2: {  	_ =	task.clear_ibuf [dreg:s7], $0x6FFFF;
	_ =	strace $0x90000049  }
0xb3: {  	s29 =	simm.s32 $0x9;
	_ =	strace $0x8000004B  }
0xb4: {  	_ =	swait.ge [sflag:s29], $0x1  }
0xb5: {  	[sflag:s29] =	ssyncadd.s32 $0xFFFFFFFF  }
0xb6: {  	_ =	strace $0x9000004B  }
0xb7: {  	_ =	sfence  }
0xb8: {  	s30 =	sld [smem:$0x0];
	_ =	sdelay $0x2  }
0xb9: {  	s31 =	sshll.u32 s1, $0xD;
	s1 =	sshrl.u32 s1, $0x2  }
0xba: {  	s3 =	sand.u32 $0x4000, s31;
	s1 =	sadd.s32 s1, s30  }
0xbb: {  	s0 =	sor.u32 s3, s0;
	s1 =	sshll.u32 s1, $0x11  }
0xbc: {  	s0 =	sor.u32 s1, s0  }
0xbd: {  	s0 =	sadd.s32 $0x8F2B, s0  }
0xbe: {  	[sflag:s0] =	ssyncadd.remote.s32 $0x1  }
0xbf: {  	_ =	sfence.sel $0xFFFF  }
0xc0: {  	[dreg:$0x0] =	wrdreg $0xFFFFFFFF;
	(pc) =	sbr.abs _section_cstart, $3  }
0xc1: {  	[dreg:$0x1] =	wrdreg $0xFFFFFFFF  }
0xc2: {  	_ =	task.clear_ibuf [dreg:s7], $0x2FFFF;
	_ =	strace $0x9FFFFFFF  }
0xc3: {  	(tm) =	ssettm $0x7FFFFFFF  }
tec
execute0_lowered:
.L_overlay_start_1:
0x0: {  	(tag) =	ssettag $0x1  }
0x1: {  	s6 =	rddreg [dreg:$0x0]  }
0x2: {  	s2 =	rddreg [dreg:$0x1]  }
0x3: {  	s3 =	rddreg [dreg:$0x2];
	s1 =	stileid.u32  }
0x4: {  	s0 =	rddreg [dreg:$0x3];
	s4 =	simm.s32 $0x0;
	s30 =	srdreg.scid  }
0x5: {  	s15 =	simm.s32 $0x14000;
	s16 =	simm.s32 $0x14080;
	s5 =	smul.u32 $0x9C4, s1  }
0x6: {  	s17 =	simm.s32 $0x50;
	s18 =	simm.s32 $0x0;
	s7 =	smul.u32 $0x4E200, s1  }
0x7: {  	[smem:$0x7FF] =	sst s4;
	s13 =	sand.u32 $0x1, s30;
	s31 =	smul.u32 $0x50000, s1  }
0x8: {  	s10 =	sshll.u32 s1, $0x6;
	_ =	strace $0x8000004A;
	s8 =	ssub.s32 $0x2, s13  }
0x9: {  	p0 =	sne.s32 s13, $0x0;
	s11 =	sadd.s32 s5, s6;
	s12 =	sadd.s32 s7, s6  }
.Ltmp0:
0xa: {  	s5 =	sadd.s32 $0xBA00, s6;
	s9 =	sshrl.u32 s8, $0x1;
	(pc) =	sbr.rel .LBB2_1-.Ltmp0, $4  }
0xb: {  	s6 =	sadd.s32 $0x5B400, s6;
	s7 =	sshrl.u32 s31, $0x2;
	s9 =	ssub.s32 s8, s9  }
0xc: {  	s14 =	sadd.s32 s7, s3;
	s7 =	sor.u32 $0x1C01, s10;
	s10 =	sadd.s32 $0xA1F400, s12  }
0xd: {  	s8 =	smul.u32 $0x2800, s1;
	s11 =	sadd.s32 $0x1C00, s11;
	s12 =	sadd.s32 $0x53D400, s12  }
0xe: {  	s9 =	smax.u32 s9, $0x1;
	s13 =	sshrl.u32 s14, $0x3;
	s14 =	simm.s32 $0x1  }
.LBB2_7:
0xf: {  	s20 =	sadd.s32 s20, s11;
	[sflag:s14] =	ssyncadd.s32 $0xFFFFD800  }
0x10: {  	[tilespmem:s15], [sflag:$0x1] =	stream.linear.gather [hbm4b:s20+s4], $0x50, $0x38;
	[tilespmem:$0x16880] =	vst v63  }
0x11: {  	_ =	swait.ge [sflag:s14], $0x50  }
0x12: {  	[sflag:s14] =	ssyncset.done $0x0  }
0x13: {  	[sflag:s14] =	ssyncadd.s32 $0xFFFFFFB0  }
0x14: {  	[tilespmem:s16], [sflag:$0x1] =	stream.linear.gather [hbm4b:s19+s4], $0x2800, $0x38;
	[tilespmem:$0x16880] =	vst v63  }
0x15: {  	_ =	swait.ge [sflag:s14], $0x2800  }
0x16: {  	[sflag:s14] =	ssyncset.done $0x0  }
0x17: {  	[sflag:s14] =	ssyncadd.s32 $0xFFFFD800  }
0x18: {  	[spmem:s3] =	stream.indirect.scatter.add.f32 [tilespmem:s16], [sflag:$0x1], $0x80, s15, s17, $0xb8;
	[tilespmem:$0x16880] =	vst v63  }
0x19: {  	_ =	swait.ge [sflag:s14], $0x2800  }
0x1a: {  	[sflag:s14] =	ssyncset.done $0x0  }
0x1b: {  	s19 =	smov.u32 s6;
	[sflag:s14] =	ssyncadd.s32 $0xFFFFD800  }
.LBB2_8:
0x1c: {  	s18 =	sadd.s32 $0x1, s18  }
0x1d: {  	p1 =	sne.s32 s18, s9  }
.Ltmp1:
0x1e: {  	s19 =	sadd.s32 s19, s8;
	[bflag:$0x0] =	sbarrier.arrive $0xFFFF;
	(pc) =	sbr.rel @!p1 .LBB2_9-.Ltmp1, $4  }
0x1f: {  	[hbm:s19], [sflag:s7] =	dma.local [spmem:s13], $0x2800  }
0x20: {  	_ =	swait.ge [sflag:s14], $0x2800  }
0x21: {  	[sflag:s14] =	ssyncset.done $0x0  }
0x22: {  	[sflag:s14] =	ssyncadd.s32 $0xFFFFD800  }
.LBB2_1:
0x23: {  	[spmem:s13], [sflag:s7] =	dma.local [hbm:s2], $0x2800  }
.Ltmp2:
0x24: {  	_ =	swait.ge [sflag:s14], $0x2800;
	(pc) =	sbr.rel @p0 .LBB2_5-.Ltmp2, $4  }
0x25: {  	[sflag:s14] =	ssyncset.done $0x0  }
0x26: {  	[sflag:s14] =	ssyncadd.s32 $0xFFFFD800  }
0x27: {  	[bflag:$0x0] =	sbarrier.arrive $0xFFFF  }
0x28: {  	s19 =	sadd.s32 $0x0, s11  }
0x29: {  	[tilespmem:s15], [sflag:$0x1] =	stream.linear.gather [hbm4b:s19+s4], $0x50, $0x38;
	[tilespmem:$0x16880] =	vst v63  }
0x2a: {  	_ =	swait.ge [sflag:s14], $0x50  }
0x2b: {  	[sflag:s14] =	ssyncset.done $0x0  }
0x2c: {  	[sflag:s14] =	ssyncadd.s32 $0xFFFFFFB0  }
0x2d: {  	[tilespmem:s16], [sflag:$0x1] =	stream.linear.gather [hbm4b:s12+s4], $0x2800, $0x38;
	[tilespmem:$0x16880] =	vst v63  }
0x2e: {  	_ =	swait.ge [sflag:s14], $0x2800  }
0x2f: {  	[sflag:s14] =	ssyncset.done $0x0  }
0x30: {  	[sflag:s14] =	ssyncadd.s32 $0xFFFFD800  }
0x31: {  	[spmem:s3] =	stream.indirect.scatter.add.f32 [tilespmem:s16], [sflag:$0x1], $0x80, s15, s17, $0xb8;
	[tilespmem:$0x16880] =	vst v63  }
0x32: {  	s20 =	simm.s32 $0xA;
	_ =	swait.ge [sflag:s14], $0x2800  }
0x33: {  	s21 =	simm.s32 $0x14;
	s19 =	sadd.s32 $0x500, s12;
	[sflag:s14] =	ssyncset.done $0x0  }
.LBB2_3:
0x34: {  	s22 =	sadd.s32 s20, s11  }
0x35: {  	[sflag:s14] =	ssyncadd.s32 $0xFFFFD800;
	s20 =	smov.u32 s21;
	s23 =	sadd.s32 $0xA, s21  }
0x36: {  	[tilespmem:s15], [sflag:$0x1] =	stream.linear.gather [hbm4b:s22+s4], $0x50, $0x38;
	[tilespmem:$0x16880] =	vst v63  }
0x37: {  	p1 =	seq.s32 s21, $0x9BA;
	_ =	swait.ge [sflag:s14], $0x50  }
0x38: {  	[sflag:s14] =	ssyncset.done $0x0  }
0x39: {  	[sflag:s14] =	ssyncadd.s32 $0xFFFFFFB0  }
0x3a: {  	[tilespmem:s16], [sflag:$0x1] =	stream.linear.gather [hbm4b:s19+s4], $0x2800, $0x38;
	[tilespmem:$0x16880] =	vst v63  }
0x3b: {  	_ =	swait.ge [sflag:s14], $0x2800  }
.Ltmp3:
0x3c: {  	[sflag:s14] =	ssyncset.done $0x0;
	(pc) =	sbr.rel @!p1 .LBB2_3-.Ltmp3, $4  }
0x3d: {  	[sflag:s14] =	ssyncadd.s32 $0xFFFFD800  }
0x3e: {  	[spmem:s3] =	stream.indirect.scatter.add.f32 [tilespmem:s16], [sflag:$0x1], $0x80, s15, s17, $0xb8;
	[tilespmem:$0x16880] =	vst v63  }
0x3f: {  	_ =	swait.ge [sflag:s14], $0x2800  }
0x40: {  	s21 =	smov.u32 s23;
	s19 =	sadd.s32 $0x500, s19;
	[sflag:s14] =	ssyncset.done $0x0  }
0x41: {  	s20 =	sadd.s32 s20, s11;
	[sflag:s14] =	ssyncadd.s32 $0xFFFFD800  }
0x42: {  	[tilespmem:s15], [sflag:$0x1] =	stream.linear.gather [hbm4b:s20+s4], $0x50, $0x38;
	[tilespmem:$0x16880] =	vst v63  }
0x43: {  	_ =	swait.ge [sflag:s14], $0x50  }
0x44: {  	[sflag:s14] =	ssyncset.done $0x0  }
0x45: {  	[sflag:s14] =	ssyncadd.s32 $0xFFFFFFB0  }
0x46: {  	[tilespmem:s16], [sflag:$0x1] =	stream.linear.gather [hbm4b:s19+s4], $0x2800, $0x38;
	[tilespmem:$0x16880] =	vst v63  }
0x47: {  	_ =	swait.ge [sflag:s14], $0x2800  }
0x48: {  	[sflag:s14] =	ssyncset.done $0x0  }
.Ltmp4:
0x49: {  	[sflag:s14] =	ssyncadd.s32 $0xFFFFD800;
	(pc) =	sbr.rel .LBB2_8-.Ltmp4, $4  }
0x4a: {  	[spmem:s3] =	stream.indirect.scatter.add.f32 [tilespmem:s16], [sflag:$0x1], $0x80, s15, s17, $0xb8;
	[tilespmem:$0x16880] =	vst v63  }
0x4b: {  	_ =	swait.ge [sflag:s14], $0x2800  }
0x4c: {  	[sflag:s14] =	ssyncset.done $0x0  }
0x4d: {  	s19 =	smov.u32 s5;
	[sflag:s14] =	ssyncadd.s32 $0xFFFFD800  }
.LBB2_5:
0x4e: {  	[tilespmem:s15], [sflag:$0x1] =	stream.linear.gather [hbm4b:s19+s4], $0x50, $0x38;
	[tilespmem:$0x16880] =	vst v63  }
0x4f: {  	_ =	swait.ge [sflag:s14], $0x50  }
0x50: {  	[sflag:s14] =	ssyncset.done $0x0  }
0x51: {  	[sflag:s14] =	ssyncadd.s32 $0xFFFFFFB0  }
0x52: {  	[tilespmem:s16], [sflag:$0x1] =	stream.linear.gather [hbm4b:s10+s4], $0x2800, $0x38;
	[tilespmem:$0x16880] =	vst v63  }
0x53: {  	_ =	swait.ge [sflag:s14], $0x2800  }
0x54: {  	[sflag:s14] =	ssyncset.done $0x0  }
0x55: {  	[sflag:s14] =	ssyncadd.s32 $0xFFFFD800  }
0x56: {  	[spmem:s3] =	stream.indirect.scatter.add.f32 [tilespmem:s16], [sflag:$0x1], $0x80, s15, s17, $0xb8;
	[tilespmem:$0x16880] =	vst v63  }
0x57: {  	s20 =	simm.s32 $0xA;
	_ =	swait.ge [sflag:s14], $0x2800  }
0x58: {  	s21 =	simm.s32 $0x14;
	s19 =	sadd.s32 $0x500, s10;
	[sflag:s14] =	ssyncset.done $0x0  }
.LBB2_6:
0x59: {  	s22 =	sadd.s32 s20, s11  }
0x5a: {  	[sflag:s14] =	ssyncadd.s32 $0xFFFFD800;
	s20 =	smov.u32 s21;
	s23 =	sadd.s32 $0xA, s21  }
0x5b: {  	[tilespmem:s15], [sflag:$0x1] =	stream.linear.gather [hbm4b:s22+s4], $0x50, $0x38;
	[tilespmem:$0x16880] =	vst v63  }
0x5c: {  	p1 =	sne.s32 s21, $0x9BA;
	_ =	swait.ge [sflag:s14], $0x50  }
0x5d: {  	[sflag:s14] =	ssyncset.done $0x0  }
0x5e: {  	[sflag:s14] =	ssyncadd.s32 $0xFFFFFFB0  }
0x5f: {  	[tilespmem:s16], [sflag:$0x1] =	stream.linear.gather [hbm4b:s19+s4], $0x2800, $0x38;
	[tilespmem:$0x16880] =	vst v63  }
0x60: {  	_ =	swait.ge [sflag:s14], $0x2800  }
.Ltmp5:
0x61: {  	[sflag:s14] =	ssyncset.done $0x0;
	(pc) =	sbr.rel @p1 .LBB2_6-.Ltmp5, $4  }
0x62: {  	[sflag:s14] =	ssyncadd.s32 $0xFFFFD800  }
0x63: {  	[spmem:s3] =	stream.indirect.scatter.add.f32 [tilespmem:s16], [sflag:$0x1], $0x80, s15, s17, $0xb8;
	[tilespmem:$0x16880] =	vst v63  }
0x64: {  	_ =	swait.ge [sflag:s14], $0x2800  }
0x65: {  	s21 =	smov.u32 s23;
	s19 =	sadd.s32 $0x500, s19;
	[sflag:s14] =	ssyncset.done $0x0  }
.Ltmp6:
0x66: {  	_ = 	snop;
	(pc) =	sbr.rel .LBB2_7-.Ltmp6, $1  }
0x67: {  	_ =	sdelay $0x3  }
.LBB2_9:
0x68: {  	_ =	sfence.sel $0x180000  }
0x69: {  	[bflag:$0x0] =	sbarrier.arrive $0xFFFF  }
0x6a: {  	p0 =	sne.s32 s1, $0x0;
	_ =	strace $0x9000004A  }
0x6b: {  	s0 =	sadd.s32 @!p0 $0x100000, s0;
	[bflag:$0x2] =	sbarrier.arrive $0xFFFF  }
0x6c: {  	[sflag:s0] =	ssyncadd.tile.s32 @!p0 $0x1;
	_ =	shalt  }
.Lfunc_end2:
_tile_overlayer_lowered:
.L_overlay_start_2:
0x6d: {  	(tag) =	ssettag $0x2  }
0x6e: {  	s0 =	rddreg [dreg:$0x0];
	s2 =	stileid.u32  }
0x6f: {  	s1 =	rddreg [dreg:$0x1];
	p0 =	sne.s32 s2, $0x0  }
0x70: {  	s3 =	rddreg [dreg:$0x2];
	[bflag:$0x3] =	sbarrier.arrive $0xFFFF;
	s2 =	simm.s32 @!p0 $0x1C01  }
0x71: {  	[timem:s3], [sflag:s2] =	dma.local @!p0 [hbm:s0], s1  }
0x72: {  	s0 =	simm.s32 @!p0 $0x1  }
0x73: {  	_ =	swait.ge @!p0 [sflag:s0], s1  }
0x74: {  	s1 =	ssub.s32 @!p0 $0x0, s1;
	[sflag:s0] =	ssyncset.done @!p0 $0x0  }
0x75: {  	[sflag:s0] =	ssyncadd.s32 @!p0 s1  }
0x76: {  	[bflag:$0x3] =	sbarrier.arrive $0xFFFF  }
0x77: {  	_ =	shalt  }

</sc_bundles>
